<compile_context>
chip_gen: v7x
topology: tpu7x:2x2x1
jax: 0.10.2.dev20260603
libtpu: 0.0.44.dev20260713+nightly
codegen_flags: <defaults>
</compile_context>

<pallas_src>
import jax
import jax.numpy as jnp
from jax import lax
from jax.experimental import pallas as pl
from jax.experimental.pallas import tpu as pltpu
from jax.experimental.pallas import tpu_sc as plsc

N = 1_000_000
NC = 1
NS = 16
L = 16
NW = NC * NS

ROWS = 7812
BR = 432
GRID = 17
TC_ROWS = BR * GRID
SC_ROWS = ROWS - TC_ROWS
SC_START = TC_ROWS * 128
CHUNK = SC_ROWS * 128 // NW
NVEC = CHUNK // L
UNROLL = 6
NMAIN = NVEC // UNROLL
TAIL_BASE = ROWS * 128
TAIL_ELEMS = N - TAIL_BASE
TAIL_VEC = TAIL_ELEMS // L
CAND_ROWS = NW * L // 128
BE = BR * 128
BIG_I32 = 1 << 30

_LOG_P = (
    7.0376836292e-2, -1.1514610310e-1, 1.1676998740e-1,
    -1.2420140846e-1, 1.4249322787e-1, -1.6668057665e-1,
    2.0000714765e-1, -2.4999993993e-1, 3.3333331174e-1,
)
_LN2_HI = 0.693359375
_LN2_LO = -2.12194440e-4
_SQRT_HALF_BITS = 0x3F3504F3


def _log(u):
    bits = lax.bitcast_convert_type(u, jnp.int32)
    e = lax.shift_right_arithmetic(bits - _SQRT_HALF_BITS, 23)
    m = lax.bitcast_convert_type(bits - lax.shift_left(e, 23), jnp.float32)
    f = m - 1.0
    ef = e.astype(jnp.float32)
    z = f * f
    poly = jnp.float32(_LOG_P[0])
    for c in _LOG_P[1:]:
        poly = poly * f + c
    y = poly * f * z + ef * _LN2_LO - 0.5 * z
    return (f + y) + ef * _LN2_HI


def _score(u, p):
    return _log(u) * jnp.exp(-p)


def _upd(xb, ib, x, idx):
    take = x > xb
    return jnp.where(take, x, xb), jnp.where(take, idx, ib)


def _merge(xa, ia, xb, ibv):
    take = (xb > xa) | ((xb == xa) & (ibv < ia))
    return jnp.where(take, xb, xa), jnp.where(take, ibv, ia)


def _sc_body(p_hbm, u_hbm, x_out, i_out, u_v, p_v, x_s, i_s, dsem):
    c = lax.axis_index("c")
    s = lax.axis_index("s")
    wid = c * NS + s
    base = SC_START + wid * CHUNK
    copies = [
        pltpu.async_copy(u_hbm.at[pl.ds(base, CHUNK)],
                         u_v.at[pl.ds(0, CHUNK)], dsem),
        pltpu.async_copy(p_hbm.at[pl.ds(base, CHUNK)],
                         p_v.at[pl.ds(0, CHUNK)], dsem),
        pltpu.async_copy(u_hbm.at[pl.ds(TAIL_BASE, TAIL_ELEMS)],
                         u_v.at[pl.ds(CHUNK, TAIL_ELEMS)], dsem),
        pltpu.async_copy(p_hbm.at[pl.ds(TAIL_BASE, TAIL_ELEMS)],
                         p_v.at[pl.ds(CHUNK, TAIL_ELEMS)], dsem),
    ]
    for cpy in copies:
        cpy.wait()

    iota = lax.iota(jnp.int32, L)
    neg_inf = jnp.full((L,), -jnp.inf, jnp.float32)
    big = jnp.full((L,), BIG_I32, jnp.int32)

    def step(i, carry):
        st = list(carry)
        off = i * (UNROLL * L)
        for j in range(UNROLL):
            o = off + j * L
            x = _score(u_v[pl.ds(o, L)], p_v[pl.ds(o, L)])
            st[2 * j], st[2 * j + 1] = _upd(st[2 * j], st[2 * j + 1], x,
                                            iota + (base + o))
        return tuple(st)

    st = lax.fori_loop(0, NMAIN, step, (neg_inf, big) * UNROLL)
    st = list(st)

    for k in range(TAIL_VEC):
        o = CHUNK + k * L
        x = _score(u_v[pl.ds(o, L)], p_v[pl.ds(o, L)])
        j = k % UNROLL
        st[2 * j], st[2 * j + 1] = _upd(st[2 * j], st[2 * j + 1], x,
                                        iota + (TAIL_BASE + k * L))

    xb, ib = st[0], st[1]
    for j in range(1, UNROLL):
        xb, ib = _merge(xb, ib, st[2 * j], st[2 * j + 1])

    x_s[...] = xb
    i_s[...] = ib
    co1 = pltpu.async_copy(x_s, x_out.at[pl.ds(wid * L, L)], dsem)
    co2 = pltpu.async_copy(i_s, i_out.at[pl.ds(wid * L, L)], dsem)
    co1.wait()
    co2.wait()


_sc_mesh = plsc.VectorSubcoreMesh(core_axis_name="c", subcore_axis_name="s",
                                  num_cores=NC, num_subcores=NS)

_sc_stage = pl.kernel(
    _sc_body,
    out_type=(jax.ShapeDtypeStruct((NW * L,), jnp.float32),
              jax.ShapeDtypeStruct((NW * L,), jnp.int32)),
    mesh=_sc_mesh,
    scratch_types=[
        pltpu.VMEM((CHUNK + TAIL_ELEMS,), jnp.float32),
        pltpu.VMEM((CHUNK + TAIL_ELEMS,), jnp.float32),
        pltpu.VMEM((L,), jnp.float32),
        pltpu.VMEM((L,), jnp.int32),
        pltpu.SemaphoreType.DMA,
    ],
)


def _tc_body(p_hbm, u_hbm, xc_ref, ic_ref, out_ref,
             pb0, ub0, pb1, ub1, acc_x, acc_b, sem0, sem1):
    def copies(i, pb, ub, sem):
        return (pltpu.make_async_copy(p_hbm.at[pl.ds(i * BE, BE)], pb, sem),
                pltpu.make_async_copy(u_hbm.at[pl.ds(i * BE, BE)], ub, sem))

    for cpy in copies(0, pb0, ub0, sem0):
        cpy.start()

    def phase(i, pb, ub, sem, npb, nub, nsem):
        @pl.when(i + 1 < GRID)
        def _prefetch():
            for cpy in copies(i + 1, npb, nub, nsem):
                cpy.start()

        for cpy in copies(i, pb, ub, sem):
            cpy.wait()
        xw = jnp.log(ub[...]) * jnp.exp(-pb[...])

        @pl.when(i == 0)
        def _init():
            acc_x[...] = xw
            acc_b[...] = jnp.zeros((BE,), jnp.int32)

        @pl.when(i > 0)
        def _acc():
            take = xw > acc_x[...]
            acc_x[...] = jnp.where(take, xw, acc_x[...])
            acc_b[...] = jnp.where(take,
                                   jnp.broadcast_to(i, (BE,)),
                                   acc_b[...])

    def body(i, carry):
        @pl.when(lax.rem(i, 2) == 0)
        def _even():
            phase(i, pb0, ub0, sem0, pb1, ub1, sem1)

        @pl.when(lax.rem(i, 2) == 1)
        def _odd():
            phase(i, pb1, ub1, sem1, pb0, ub0, sem0)

        return carry

    lax.fori_loop(0, GRID, body, 0)

    ax = acc_x[...]
    ab = acc_b[...]
    pos = lax.broadcasted_iota(jnp.int32, (BE,), 0)
    gidx = ab * BE + pos
    m_tc = jnp.max(ax)
    i_tc = jnp.min(jnp.where(ax == m_tc, gidx, BIG_I32))
    xc = xc_ref[...]
    ic = ic_ref[...]
    m_sc = jnp.max(xc)
    i_sc = jnp.min(jnp.where(xc == m_sc, ic, BIG_I32))
    take_sc = (m_sc > m_tc) | ((m_sc == m_tc) & (i_sc < i_tc))
    out_ref[0, 0] = jnp.where(take_sc, i_sc, i_tc)


_tc_stage = pl.pallas_call(
    _tc_body,
    in_specs=[
        pl.BlockSpec(memory_space=pl.ANY),
        pl.BlockSpec(memory_space=pl.ANY),
        pl.BlockSpec((CAND_ROWS, 128), lambda: (0, 0)),
        pl.BlockSpec((CAND_ROWS, 128), lambda: (0, 0)),
    ],
    out_specs=pl.BlockSpec(memory_space=pltpu.SMEM),
    out_shape=jax.ShapeDtypeStruct((1, 1), jnp.int32),
    scratch_shapes=[
        pltpu.VMEM((BE,), jnp.float32),
        pltpu.VMEM((BE,), jnp.float32),
        pltpu.VMEM((BE,), jnp.float32),
        pltpu.VMEM((BE,), jnp.float32),
        pltpu.VMEM((BE,), jnp.float32),
        pltpu.VMEM((BE,), jnp.int32),
        pltpu.SemaphoreType.DMA,
        pltpu.SemaphoreType.DMA,
    ],
)


def kernel(p, u):
    x_cand, i_cand = _sc_stage(p, u)
    ans = _tc_stage(p, u,
                    x_cand.reshape(CAND_ROWS, 128),
                    i_cand.reshape(CAND_ROWS, 128))
    return ans[0, 0]

# --- scband reference (transcript-rebuilt; emitter-appended) ---
"""Pipeline reference for scband-repeat-mask-11098195493332 (READ-ONLY COPY).

The authoritative reference and input builder live on the scoring server;
editing this copy changes nothing except your own understanding.
"""

import jax, jax.numpy as jnp
import numpy as np

NUM_CLASSES = 1000000
TAU = 1.0


def setup_inputs(seed: int = 0) -> dict:
    key = jax.random.key(seed)
    k1, k2 = jax.random.split(key)
    # learned parameter p (nn.Parameter in the torch module)
    p = jax.random.normal(k1, (NUM_CLASSES,), dtype=jnp.float32)
    # uniform noise used to construct gumbel noise (torch samples internally; we externalize it)
    u = jax.random.uniform(k2, (NUM_CLASSES,), dtype=jnp.float32, minval=1e-10, maxval=1.0)
    return {"p": p, "u": u}


def reference(p, u):
    # F.gumbel_softmax(p, tau=TAU, hard=True)
    gumbels = -jnp.log(-jnp.log(u))
    y = (p + gumbels) / TAU
    y_soft = jax.nn.softmax(y, axis=-1)
    idx = jnp.argmax(y_soft, axis=-1)
    y_hard = jax.nn.one_hot(idx, NUM_CLASSES, dtype=y_soft.dtype)
    # straight-through estimator (hard=True branch)
    logits = y_hard - jax.lax.stop_gradient(y_soft) + y_soft
    one_hot_index = jnp.argmax(logits)
    return one_hot_index

if __name__ == "__main__":
    import jax
    _d = setup_inputs()
    print(jax.jit(kernel)(*tuple(_d.values())))

</pallas_src>

<mosaic_0001>
#map = affine_map<(d0, d1) -> (0)>
module attributes {stable_mosaic.version = 14 : i64} {
  func.func @_sc_body(%arg0: i32, %arg1: i32, %arg2: memref<1000000xf32, #tpu.memory_space<hbm>>, %arg3: memref<1000000xf32, #tpu.memory_space<hbm>>, %arg4: memref<256xf32, #tpu.memory_space<hbm>>, %arg5: memref<256xi32, #tpu.memory_space<hbm>>, %arg6: memref<3808xf32, #tpu.memory_space<vmem>>, %arg7: memref<3808xf32, #tpu.memory_space<vmem>>, %arg8: memref<16xf32, #tpu.memory_space<vmem>>, %arg9: memref<16xi32, #tpu.memory_space<vmem>>, %arg10: memref<!tpu.dma_semaphore, #tpu.memory_space<semaphore_mem>>) attributes {dimension_semantics = [#tpu.dimension_semantics<core_parallel>, #tpu.dimension_semantics<subcore_parallel>], iteration_bounds = array<i64: 1, 16>, scalar_prefetch = 0 : i64, scratch_operands = 5 : i64, tpu.core_type = #tpu.core_type<sc_vector_subcore>, window_params = [{transform_indices = #map}, {transform_indices = #map}, {transform_indices = #map}, {transform_indices = #map}]} {
    %mul3A = arith.constant 16 : i32
    %mul3A_0 = arith.muli %arg0, %mul3A : i32
    %add3A = arith.addi %mul3A_0, %arg1 : i32
    %mul3A_1 = arith.constant 3744 : i32
    %mul3A_2 = arith.muli %add3A, %mul3A_1 : i32
    %add3A_3 = arith.constant 940032 : i32
    %add3A_4 = arith.addi %add3A_3, %mul3A_2 : i32
    %dma_start3A = arith.constant 0 : i32
    %dma_start3A_5 = tpu.memref_slice %arg6[%dma_start3A] : memref<3808xf32, #tpu.memory_space<vmem>> -> memref<3744xf32, #tpu.memory_space<vmem>>
    %dma_start3A_6 = tpu.memref_slice %arg3[%add3A_4] : memref<1000000xf32, #tpu.memory_space<hbm>> -> memref<3744xf32, #tpu.memory_space<hbm>>
    %dma_start3A_7 = arith.constant 0 : i32
    %dma_start3A_8 = tpu.memref_slice %arg6[%dma_start3A_7] : memref<3808xf32, #tpu.memory_space<vmem>> -> memref<3744xf32, #tpu.memory_space<vmem>>
    %dma_start3A_9 = tpu.memref_slice %arg3[%add3A_4] : memref<1000000xf32, #tpu.memory_space<hbm>> -> memref<3744xf32, #tpu.memory_space<hbm>>
    tpu.enqueue_dma source(%dma_start3A_9 : memref<3744xf32, #tpu.memory_space<hbm>>) target(%dma_start3A_8 : memref<3744xf32, #tpu.memory_space<vmem>>) target_semaphore(%arg10 : memref<!tpu.dma_semaphore, #tpu.memory_space<semaphore_mem>>)
    %dma_start3A_10 = arith.constant 0 : i32
    %dma_start3A_11 = tpu.memref_slice %arg7[%dma_start3A_10] : memref<3808xf32, #tpu.memory_space<vmem>> -> memref<3744xf32, #tpu.memory_space<vmem>>
    %dma_start3A_12 = tpu.memref_slice %arg2[%add3A_4] : memref<1000000xf32, #tpu.memory_space<hbm>> -> memref<3744xf32, #tpu.memory_space<hbm>>
    %dma_start3A_13 = arith.constant 0 : i32
    %dma_start3A_14 = tpu.memref_slice %arg7[%dma_start3A_13] : memref<3808xf32, #tpu.memory_space<vmem>> -> memref<3744xf32, #tpu.memory_space<vmem>>
    %dma_start3A_15 = tpu.memref_slice %arg2[%add3A_4] : memref<1000000xf32, #tpu.memory_space<hbm>> -> memref<3744xf32, #tpu.memory_space<hbm>>
    tpu.enqueue_dma source(%dma_start3A_15 : memref<3744xf32, #tpu.memory_space<hbm>>) target(%dma_start3A_14 : memref<3744xf32, #tpu.memory_space<vmem>>) target_semaphore(%arg10 : memref<!tpu.dma_semaphore, #tpu.memory_space<semaphore_mem>>)
    %dma_start3A_16 = arith.constant 3744 : i32
    %dma_start3A_17 = tpu.memref_slice %arg6[%dma_start3A_16] : memref<3808xf32, #tpu.memory_space<vmem>> -> memref<64xf32, #tpu.memory_space<vmem>>
    %dma_start3A_18 = arith.constant 999936 : i32
    %dma_start3A_19 = tpu.memref_slice %arg3[%dma_start3A_18] : memref<1000000xf32, #tpu.memory_space<hbm>> -> memref<64xf32, #tpu.memory_space<hbm>>
    %dma_start3A_20 = arith.constant 3744 : i32
    %dma_start3A_21 = tpu.memref_slice %arg6[%dma_start3A_20] : memref<3808xf32, #tpu.memory_space<vmem>> -> memref<64xf32, #tpu.memory_space<vmem>>
    %dma_start3A_22 = arith.constant 999936 : i32
    %dma_start3A_23 = tpu.memref_slice %arg3[%dma_start3A_22] : memref<1000000xf32, #tpu.memory_space<hbm>> -> memref<64xf32, #tpu.memory_space<hbm>>
    tpu.enqueue_dma source(%dma_start3A_23 : memref<64xf32, #tpu.memory_space<hbm>>) target(%dma_start3A_21 : memref<64xf32, #tpu.memory_space<vmem>>) target_semaphore(%arg10 : memref<!tpu.dma_semaphore, #tpu.memory_space<semaphore_mem>>)
    %dma_start3A_24 = arith.constant 3744 : i32
    %dma_start3A_25 = tpu.memref_slice %arg7[%dma_start3A_24] : memref<3808xf32, #tpu.memory_space<vmem>> -> memref<64xf32, #tpu.memory_space<vmem>>
    %dma_start3A_26 = arith.constant 999936 : i32
    %dma_start3A_27 = tpu.memref_slice %arg2[%dma_start3A_26] : memref<1000000xf32, #tpu.memory_space<hbm>> -> memref<64xf32, #tpu.memory_space<hbm>>
    %dma_start3A_28 = arith.constant 3744 : i32
    %dma_start3A_29 = tpu.memref_slice %arg7[%dma_start3A_28] : memref<3808xf32, #tpu.memory_space<vmem>> -> memref<64xf32, #tpu.memory_space<vmem>>
    %dma_start3A_30 = arith.constant 999936 : i32
    %dma_start3A_31 = tpu.memref_slice %arg2[%dma_start3A_30] : memref<1000000xf32, #tpu.memory_space<hbm>> -> memref<64xf32, #tpu.memory_space<hbm>>
    tpu.enqueue_dma source(%dma_start3A_31 : memref<64xf32, #tpu.memory_space<hbm>>) target(%dma_start3A_29 : memref<64xf32, #tpu.memory_space<vmem>>) target_semaphore(%arg10 : memref<!tpu.dma_semaphore, #tpu.memory_space<semaphore_mem>>)
    %dma_wait3A = arith.constant 0 : i32
    %dma_wait3A_32 = tpu.memref_slice %arg6[%dma_wait3A] : memref<3808xf32, #tpu.memory_space<vmem>> -> memref<3744xf32, #tpu.memory_space<vmem>>
    %dma_wait3A_33 = tpu.memref_slice %arg3[%add3A_4] : memref<1000000xf32, #tpu.memory_space<hbm>> -> memref<3744xf32, #tpu.memory_space<hbm>>
    %dma_wait3A_34 = arith.constant 0 : i32
    %dma_wait3A_35 = tpu.memref_slice %arg6[%dma_wait3A_34] : memref<3808xf32, #tpu.memory_space<vmem>> -> memref<3744xf32, #tpu.memory_space<vmem>>
    %dma_wait3A_36 = tpu.memref_slice %arg3[%add3A_4] : memref<1000000xf32, #tpu.memory_space<hbm>> -> memref<3744xf32, #tpu.memory_space<hbm>>
    tpu.wait_dma2 semaphore(%arg10 : memref<!tpu.dma_semaphore, #tpu.memory_space<semaphore_mem>>) src(%dma_wait3A_36 : memref<3744xf32, #tpu.memory_space<hbm>>) dst(%dma_wait3A_35 : memref<3744xf32, #tpu.memory_space<vmem>>)
    %dma_wait3A_37 = arith.constant 0 : i32
    %dma_wait3A_38 = tpu.memref_slice %arg7[%dma_wait3A_37] : memref<3808xf32, #tpu.memory_space<vmem>> -> memref<3744xf32, #tpu.memory_space<vmem>>
    %dma_wait3A_39 = tpu.memref_slice %arg2[%add3A_4] : memref<1000000xf32, #tpu.memory_space<hbm>> -> memref<3744xf32, #tpu.memory_space<hbm>>
    %dma_wait3A_40 = arith.constant 0 : i32
    %dma_wait3A_41 = tpu.memref_slice %arg7[%dma_wait3A_40] : memref<3808xf32, #tpu.memory_space<vmem>> -> memref<3744xf32, #tpu.memory_space<vmem>>
    %dma_wait3A_42 = tpu.memref_slice %arg2[%add3A_4] : memref<1000000xf32, #tpu.memory_space<hbm>> -> memref<3744xf32, #tpu.memory_space<hbm>>
    tpu.wait_dma2 semaphore(%arg10 : memref<!tpu.dma_semaphore, #tpu.memory_space<semaphore_mem>>) src(%dma_wait3A_42 : memref<3744xf32, #tpu.memory_space<hbm>>) dst(%dma_wait3A_41 : memref<3744xf32, #tpu.memory_space<vmem>>)
    %dma_wait3A_43 = arith.constant 3744 : i32
    %dma_wait3A_44 = tpu.memref_slice %arg6[%dma_wait3A_43] : memref<3808xf32, #tpu.memory_space<vmem>> -> memref<64xf32, #tpu.memory_space<vmem>>
    %dma_wait3A_45 = arith.constant 999936 : i32
    %dma_wait3A_46 = tpu.memref_slice %arg3[%dma_wait3A_45] : memref<1000000xf32, #tpu.memory_space<hbm>> -> memref<64xf32, #tpu.memory_space<hbm>>
    %dma_wait3A_47 = arith.constant 3744 : i32
    %dma_wait3A_48 = tpu.memref_slice %arg6[%dma_wait3A_47] : memref<3808xf32, #tpu.memory_space<vmem>> -> memref<64xf32, #tpu.memory_space<vmem>>
    %dma_wait3A_49 = arith.constant 999936 : i32
    %dma_wait3A_50 = tpu.memref_slice %arg3[%dma_wait3A_49] : memref<1000000xf32, #tpu.memory_space<hbm>> -> memref<64xf32, #tpu.memory_space<hbm>>
    tpu.wait_dma2 semaphore(%arg10 : memref<!tpu.dma_semaphore, #tpu.memory_space<semaphore_mem>>) src(%dma_wait3A_50 : memref<64xf32, #tpu.memory_space<hbm>>) dst(%dma_wait3A_48 : memref<64xf32, #tpu.memory_space<vmem>>)
    %dma_wait3A_51 = arith.constant 3744 : i32
    %dma_wait3A_52 = tpu.memref_slice %arg7[%dma_wait3A_51] : memref<3808xf32, #tpu.memory_space<vmem>> -> memref<64xf32, #tpu.memory_space<vmem>>
    %dma_wait3A_53 = arith.constant 999936 : i32
    %dma_wait3A_54 = tpu.memref_slice %arg2[%dma_wait3A_53] : memref<1000000xf32, #tpu.memory_space<hbm>> -> memref<64xf32, #tpu.memory_space<hbm>>
    %dma_wait3A_55 = arith.constant 3744 : i32
    %dma_wait3A_56 = tpu.memref_slice %arg7[%dma_wait3A_55] : memref<3808xf32, #tpu.memory_space<vmem>> -> memref<64xf32, #tpu.memory_space<vmem>>
    %dma_wait3A_57 = arith.constant 999936 : i32
    %dma_wait3A_58 = tpu.memref_slice %arg2[%dma_wait3A_57] : memref<1000000xf32, #tpu.memory_space<hbm>> -> memref<64xf32, #tpu.memory_space<hbm>>
    tpu.wait_dma2 semaphore(%arg10 : memref<!tpu.dma_semaphore, #tpu.memory_space<semaphore_mem>>) src(%dma_wait3A_58 : memref<64xf32, #tpu.memory_space<hbm>>) dst(%dma_wait3A_56 : memref<64xf32, #tpu.memory_space<vmem>>)
    %iota3A = tpu.iota {dimensions = array<i32: 0>} : vector<16xi32>
    %broadcast_in_dim3A = arith.constant 0xFF800000 : f32
    %broadcast_in_dim3A_59 = vector.broadcast %broadcast_in_dim3A : f32 to vector<16xf32>
    %broadcast_in_dim3A_60 = arith.constant 1073741824 : i32
    %broadcast_in_dim3A_61 = vector.broadcast %broadcast_in_dim3A_60 : i32 to vector<16xi32>
    %scan3A = arith.constant 0 : i32
    %scan3A_62 = arith.constant 39 : i32
    %scan3A_63 = arith.addi %scan3A, %scan3A_62 : i32
    %scan3A_64 = arith.constant 1 : i32
    %scan3A_65:12 = scf.for %scan3A_439 = %scan3A to %scan3A_63 step %scan3A_64 iter_args(%scan3A_440 = %broadcast_in_dim3A_59, %scan3A_441 = %broadcast_in_dim3A_61, %scan3A_442 = %broadcast_in_dim3A_59, %scan3A_443 = %broadcast_in_dim3A_61, %scan3A_444 = %broadcast_in_dim3A_59, %scan3A_445 = %broadcast_in_dim3A_61, %scan3A_446 = %broadcast_in_dim3A_59, %scan3A_447 = %broadcast_in_dim3A_61, %scan3A_448 = %broadcast_in_dim3A_59, %scan3A_449 = %broadcast_in_dim3A_61, %scan3A_450 = %broadcast_in_dim3A_59, %scan3A_451 = %broadcast_in_dim3A_61) -> (vector<16xf32>, vector<16xi32>, vector<16xf32>, vector<16xi32>, vector<16xf32>, vector<16xi32>, vector<16xf32>, vector<16xi32>, vector<16xf32>, vector<16xi32>, vector<16xf32>, vector<16xi32>)  : i32 {
      %mul3A_452 = arith.constant 96 : i32
      %mul3A_453 = arith.muli %scan3A_439, %mul3A_452 : i32
      %add3A_454 = arith.constant 0 : i32
      %add3A_455 = arith.addi %mul3A_453, %add3A_454 : i32
      %get3A_456 = arith.index_cast %add3A_455 : i32 to index
      %get3A_457 = tpu.vector_load %arg6[%get3A_456] {strides = array<i32>} : memref<3808xf32, #tpu.memory_space<vmem>>, vector<16xf32>,
      %get3A_458 = vector.shape_cast %get3A_457 : vector<16xf32> to vector<16xf32>
      %get3A_459 = arith.index_cast %add3A_455 : i32 to index
      %get3A_460 = tpu.vector_load %arg7[%get3A_459] {strides = array<i32>} : memref<3808xf32, #tpu.memory_space<vmem>>, vector<16xf32>,
      %get3A_461 = vector.shape_cast %get3A_460 : vector<16xf32> to vector<16xf32>
      %bitcast_convert_type3A_462 = tpu.bitcast %get3A_458 : vector<16xf32> -> vector<16xi32>
      %sub3A_463 = arith.constant 1060439283 : i32
      %sub3A_464 = vector.broadcast %sub3A_463 : i32 to vector<16xi32>
      %sub3A_465 = arith.subi %bitcast_convert_type3A_462, %sub3A_464 : vector<16xi32>
      %shift_right_arithmetic3A_466 = arith.constant 23 : i32
      %shift_right_arithmetic3A_467 = vector.broadcast %shift_right_arithmetic3A_466 : i32 to vector<16xi32>
      %shift_right_arithmetic3A_468 = arith.shrsi %sub3A_465, %shift_right_arithmetic3A_467 : vector<16xi32>
      %shift_left3A_469 = arith.constant 23 : i32
      %shift_left3A_470 = vector.broadcast %shift_left3A_469 : i32 to vector<16xi32>
      %shift_left3A_471 = arith.shli %shift_right_arithmetic3A_468, %shift_left3A_470 : vector<16xi32>
      %sub3A_472 = arith.subi %bitcast_convert_type3A_462, %shift_left3A_471 : vector<16xi32>
      %bitcast_convert_type3A_473 = tpu.bitcast %sub3A_472 : vector<16xi32> -> vector<16xf32>
      %sub3A_474 = arith.constant 1.000000e+00 : f32
      %sub3A_475 = vector.broadcast %sub3A_474 : f32 to vector<16xf32>
      %sub3A_476 = arith.subf %bitcast_convert_type3A_473, %sub3A_475 : vector<16xf32>
      %convert_element_type3A_477 = arith.sitofp %shift_right_arithmetic3A_468 : vector<16xi32> to vector<16xf32>
      %mul3A_478 = arith.mulf %sub3A_476, %sub3A_476 : vector<16xf32>
      %mul3A_479 = arith.constant 0.0703768358 : f32
      %mul3A_480 = vector.broadcast %mul3A_479 : f32 to vector<16xf32>
      %mul3A_481 = arith.mulf %mul3A_480, %sub3A_476 : vector<16xf32>
      %add3A_482 = arith.constant -0.115146101 : f32
      %add3A_483 = vector.broadcast %add3A_482 : f32 to vector<16xf32>
      %add3A_484 = arith.addf %mul3A_481, %add3A_483 : vector<16xf32>
      %mul3A_485 = arith.mulf %add3A_484, %sub3A_476 : vector<16xf32>
      %add3A_486 = arith.constant 0.116769984 : f32
      %add3A_487 = vector.broadcast %add3A_486 : f32 to vector<16xf32>
      %add3A_488 = arith.addf %mul3A_485, %add3A_487 : vector<16xf32>
      %mul3A_489 = arith.mulf %add3A_488, %sub3A_476 : vector<16xf32>
      %add3A_490 = arith.constant -0.12420141 : f32
      %add3A_491 = vector.broadcast %add3A_490 : f32 to vector<16xf32>
      %add3A_492 = arith.addf %mul3A_489, %add3A_491 : vector<16xf32>
      %mul3A_493 = arith.mulf %add3A_492, %sub3A_476 : vector<16xf32>
      %add3A_494 = arith.constant 0.142493233 : f32
      %add3A_495 = vector.broadcast %add3A_494 : f32 to vector<16xf32>
      %add3A_496 = arith.addf %mul3A_493, %add3A_495 : vector<16xf32>
      %mul3A_497 = arith.mulf %add3A_496, %sub3A_476 : vector<16xf32>
      %add3A_498 = arith.constant -0.166680574 : f32
      %add3A_499 = vector.broadcast %add3A_498 : f32 to vector<16xf32>
      %add3A_500 = arith.addf %mul3A_497, %add3A_499 : vector<16xf32>
      %mul3A_501 = arith.mulf %add3A_500, %sub3A_476 : vector<16xf32>
      %add3A_502 = arith.constant 0.200007141 : f32
      %add3A_503 = vector.broadcast %add3A_502 : f32 to vector<16xf32>
      %add3A_504 = arith.addf %mul3A_501, %add3A_503 : vector<16xf32>
      %mul3A_505 = arith.mulf %add3A_504, %sub3A_476 : vector<16xf32>
      %add3A_506 = arith.constant -0.24999994 : f32
      %add3A_507 = vector.broadcast %add3A_506 : f32 to vector<16xf32>
      %add3A_508 = arith.addf %mul3A_505, %add3A_507 : vector<16xf32>
      %mul3A_509 = arith.mulf %add3A_508, %sub3A_476 : vector<16xf32>
      %add3A_510 = arith.constant 0.333333313 : f32
      %add3A_511 = vector.broadcast %add3A_510 : f32 to vector<16xf32>
      %add3A_512 = arith.addf %mul3A_509, %add3A_511 : vector<16xf32>
      %mul3A_513 = arith.mulf %add3A_512, %sub3A_476 : vector<16xf32>
      %mul3A_514 = arith.mulf %mul3A_513, %mul3A_478 : vector<16xf32>
      %mul3A_515 = arith.constant -2.12194442E-4 : f32
      %mul3A_516 = vector.broadcast %mul3A_515 : f32 to vector<16xf32>
      %mul3A_517 = arith.mulf %convert_element_type3A_477, %mul3A_516 : vector<16xf32>
      %add3A_518 = arith.addf %mul3A_514, %mul3A_517 : vector<16xf32>
      %mul3A_519 = arith.constant 5.000000e-01 : f32
      %mul3A_520 = vector.broadcast %mul3A_519 : f32 to vector<16xf32>
      %mul3A_521 = arith.mulf %mul3A_520, %mul3A_478 : vector<16xf32>
      %sub3A_522 = arith.subf %add3A_518, %mul3A_521 : vector<16xf32>
      %add3A_523 = arith.addf %sub3A_476, %sub3A_522 : vector<16xf32>
      %mul3A_524 = arith.constant 0.693359375 : f32
      %mul3A_525 = vector.broadcast %mul3A_524 : f32 to vector<16xf32>
      %mul3A_526 = arith.mulf %convert_element_type3A_477, %mul3A_525 : vector<16xf32>
      %add3A_527 = arith.addf %add3A_523, %mul3A_526 : vector<16xf32>
      %neg3A_528 = arith.constant 0.000000e+00 : f32
      %neg3A_529 = vector.broadcast %neg3A_528 : f32 to vector<16xf32>
      %neg3A_530 = arith.subf %neg3A_529, %get3A_461 : vector<16xf32>
      %exp3A_531 = math.exp %neg3A_530 : vector<16xf32>
      %mul3A_532 = arith.mulf %add3A_527, %exp3A_531 : vector<16xf32>
      %add3A_533 = arith.addi %add3A_4, %add3A_455 : i32
      %add3A_534 = vector.broadcast %add3A_533 : i32 to vector<16xi32>
      %add3A_535 = arith.addi %iota3A, %add3A_534 : vector<16xi32>
      %gt3A_536 = arith.cmpf ogt, %mul3A_532, %scan3A_440 : vector<16xf32>
      %select_n3A_537 = arith.select %gt3A_536, %mul3A_532, %scan3A_440 : vector<16xi1>, vector<16xf32>
      %select_n3A_538 = arith.select %gt3A_536, %add3A_535, %scan3A_441 : vector<16xi1>, vector<16xi32>
      %add3A_539 = arith.constant 16 : i32
      %add3A_540 = arith.addi %mul3A_453, %add3A_539 : i32
      %get3A_541 = arith.index_cast %add3A_540 : i32 to index
      %get3A_542 = tpu.vector_load %arg6[%get3A_541] {strides = array<i32>} : memref<3808xf32, #tpu.memory_space<vmem>>, vector<16xf32>,
      %get3A_543 = vector.shape_cast %get3A_542 : vector<16xf32> to vector<16xf32>
      %get3A_544 = arith.index_cast %add3A_540 : i32 to index
      %get3A_545 = tpu.vector_load %arg7[%get3A_544] {strides = array<i32>} : memref<3808xf32, #tpu.memory_space<vmem>>, vector<16xf32>,
      %get3A_546 = vector.shape_cast %get3A_545 : vector<16xf32> to vector<16xf32>
      %bitcast_convert_type3A_547 = tpu.bitcast %get3A_543 : vector<16xf32> -> vector<16xi32>
      %sub3A_548 = arith.constant 1060439283 : i32
      %sub3A_549 = vector.broadcast %sub3A_548 : i32 to vector<16xi32>
      %sub3A_550 = arith.subi %bitcast_convert_type3A_547, %sub3A_549 : vector<16xi32>
      %shift_right_arithmetic3A_551 = arith.constant 23 : i32
      %shift_right_arithmetic3A_552 = vector.broadcast %shift_right_arithmetic3A_551 : i32 to vector<16xi32>
      %shift_right_arithmetic3A_553 = arith.shrsi %sub3A_550, %shift_right_arithmetic3A_552 : vector<16xi32>
      %shift_left3A_554 = arith.constant 23 : i32
      %shift_left3A_555 = vector.broadcast %shift_left3A_554 : i32 to vector<16xi32>
      %shift_left3A_556 = arith.shli %shift_right_arithmetic3A_553, %shift_left3A_555 : vector<16xi32>
      %sub3A_557 = arith.subi %bitcast_convert_type3A_547, %shift_left3A_556 : vector<16xi32>
      %bitcast_convert_type3A_558 = tpu.bitcast %sub3A_557 : vector<16xi32> -> vector<16xf32>
      %sub3A_559 = arith.constant 1.000000e+00 : f32
      %sub3A_560 = vector.broadcast %sub3A_559 : f32 to vector<16xf32>
      %sub3A_561 = arith.subf %bitcast_convert_type3A_558, %sub3A_560 : vector<16xf32>
      %convert_element_type3A_562 = arith.sitofp %shift_right_arithmetic3A_553 : vector<16xi32> to vector<16xf32>
      %mul3A_563 = arith.mulf %sub3A_561, %sub3A_561 : vector<16xf32>
      %mul3A_564 = arith.constant 0.0703768358 : f32
      %mul3A_565 = vector.broadcast %mul3A_564 : f32 to vector<16xf32>
      %mul3A_566 = arith.mulf %mul3A_565, %sub3A_561 : vector<16xf32>
      %add3A_567 = arith.constant -0.115146101 : f32
      %add3A_568 = vector.broadcast %add3A_567 : f32 to vector<16xf32>
      %add3A_569 = arith.addf %mul3A_566, %add3A_568 : vector<16xf32>
      %mul3A_570 = arith.mulf %add3A_569, %sub3A_561 : vector<16xf32>
      %add3A_571 = arith.constant 0.116769984 : f32
      %add3A_572 = vector.broadcast %add3A_571 : f32 to vector<16xf32>
      %add3A_573 = arith.addf %mul3A_570, %add3A_572 : vector<16xf32>
      %mul3A_574 = arith.mulf %add3A_573, %sub3A_561 : vector<16xf32>
      %add3A_575 = arith.constant -0.12420141 : f32
      %add3A_576 = vector.broadcast %add3A_575 : f32 to vector<16xf32>
      %add3A_577 = arith.addf %mul3A_574, %add3A_576 : vector<16xf32>
      %mul3A_578 = arith.mulf %add3A_577, %sub3A_561 : vector<16xf32>
      %add3A_579 = arith.constant 0.142493233 : f32
      %add3A_580 = vector.broadcast %add3A_579 : f32 to vector<16xf32>
      %add3A_581 = arith.addf %mul3A_578, %add3A_580 : vector<16xf32>
      %mul3A_582 = arith.mulf %add3A_581, %sub3A_561 : vector<16xf32>
      %add3A_583 = arith.constant -0.166680574 : f32
      %add3A_584 = vector.broadcast %add3A_583 : f32 to vector<16xf32>
      %add3A_585 = arith.addf %mul3A_582, %add3A_584 : vector<16xf32>
      %mul3A_586 = arith.mulf %add3A_585, %sub3A_561 : vector<16xf32>
      %add3A_587 = arith.constant 0.200007141 : f32
      %add3A_588 = vector.broadcast %add3A_587 : f32 to vector<16xf32>
      %add3A_589 = arith.addf %mul3A_586, %add3A_588 : vector<16xf32>
      %mul3A_590 = arith.mulf %add3A_589, %sub3A_561 : vector<16xf32>
      %add3A_591 = arith.constant -0.24999994 : f32
      %add3A_592 = vector.broadcast %add3A_591 : f32 to vector<16xf32>
      %add3A_593 = arith.addf %mul3A_590, %add3A_592 : vector<16xf32>
      %mul3A_594 = arith.mulf %add3A_593, %sub3A_561 : vector<16xf32>
      %add3A_595 = arith.constant 0.333333313 : f32
      %add3A_596 = vector.broadcast %add3A_595 : f32 to vector<16xf32>
      %add3A_597 = arith.addf %mul3A_594, %add3A_596 : vector<16xf32>
      %mul3A_598 = arith.mulf %add3A_597, %sub3A_561 : vector<16xf32>
      %mul3A_599 = arith.mulf %mul3A_598, %mul3A_563 : vector<16xf32>
      %mul3A_600 = arith.constant -2.12194442E-4 : f32
      %mul3A_601 = vector.broadcast %mul3A_600 : f32 to vector<16xf32>
      %mul3A_602 = arith.mulf %convert_element_type3A_562, %mul3A_601 : vector<16xf32>
      %add3A_603 = arith.addf %mul3A_599, %mul3A_602 : vector<16xf32>
      %mul3A_604 = arith.constant 5.000000e-01 : f32
      %mul3A_605 = vector.broadcast %mul3A_604 : f32 to vector<16xf32>
      %mul3A_606 = arith.mulf %mul3A_605, %mul3A_563 : vector<16xf32>
      %sub3A_607 = arith.subf %add3A_603, %mul3A_606 : vector<16xf32>
      %add3A_608 = arith.addf %sub3A_561, %sub3A_607 : vector<16xf32>
      %mul3A_609 = arith.constant 0.693359375 : f32
      %mul3A_610 = vector.broadcast %mul3A_609 : f32 to vector<16xf32>
      %mul3A_611 = arith.mulf %convert_element_type3A_562, %mul3A_610 : vector<16xf32>
      %add3A_612 = arith.addf %add3A_608, %mul3A_611 : vector<16xf32>
      %neg3A_613 = arith.constant 0.000000e+00 : f32
      %neg3A_614 = vector.broadcast %neg3A_613 : f32 to vector<16xf32>
      %neg3A_615 = arith.subf %neg3A_614, %get3A_546 : vector<16xf32>
      %exp3A_616 = math.exp %neg3A_615 : vector<16xf32>
      %mul3A_617 = arith.mulf %add3A_612, %exp3A_616 : vector<16xf32>
      %add3A_618 = arith.addi %add3A_4, %add3A_540 : i32
      %add3A_619 = vector.broadcast %add3A_618 : i32 to vector<16xi32>
      %add3A_620 = arith.addi %iota3A, %add3A_619 : vector<16xi32>
      %gt3A_621 = arith.cmpf ogt, %mul3A_617, %scan3A_442 : vector<16xf32>
      %select_n3A_622 = arith.select %gt3A_621, %mul3A_617, %scan3A_442 : vector<16xi1>, vector<16xf32>
      %select_n3A_623 = arith.select %gt3A_621, %add3A_620, %scan3A_443 : vector<16xi1>, vector<16xi32>
      %add3A_624 = arith.constant 32 : i32
      %add3A_625 = arith.addi %mul3A_453, %add3A_624 : i32
      %get3A_626 = arith.index_cast %add3A_625 : i32 to index
      %get3A_627 = tpu.vector_load %arg6[%get3A_626] {strides = array<i32>} : memref<3808xf32, #tpu.memory_space<vmem>>, vector<16xf32>,
      %get3A_628 = vector.shape_cast %get3A_627 : vector<16xf32> to vector<16xf32>
      %get3A_629 = arith.index_cast %add3A_625 : i32 to index
      %get3A_630 = tpu.vector_load %arg7[%get3A_629] {strides = array<i32>} : memref<3808xf32, #tpu.memory_space<vmem>>, vector<16xf32>,
      %get3A_631 = vector.shape_cast %get3A_630 : vector<16xf32> to vector<16xf32>
      %bitcast_convert_type3A_632 = tpu.bitcast %get3A_628 : vector<16xf32> -> vector<16xi32>
      %sub3A_633 = arith.constant 1060439283 : i32
      %sub3A_634 = vector.broadcast %sub3A_633 : i32 to vector<16xi32>
      %sub3A_635 = arith.subi %bitcast_convert_type3A_632, %sub3A_634 : vector<16xi32>
      %shift_right_arithmetic3A_636 = arith.constant 23 : i32
      %shift_right_arithmetic3A_637 = vector.broadcast %shift_right_arithmetic3A_636 : i32 to vector<16xi32>
      %shift_right_arithmetic3A_638 = arith.shrsi %sub3A_635, %shift_right_arithmetic3A_637 : vector<16xi32>
      %shift_left3A_639 = arith.constant 23 : i32
      %shift_left3A_640 = vector.broadcast %shift_left3A_639 : i32 to vector<16xi32>
      %shift_left3A_641 = arith.shli %shift_right_arithmetic3A_638, %shift_left3A_640 : vector<16xi32>
      %sub3A_642 = arith.subi %bitcast_convert_type3A_632, %shift_left3A_641 : vector<16xi32>
      %bitcast_convert_type3A_643 = tpu.bitcast %sub3A_642 : vector<16xi32> -> vector<16xf32>
      %sub3A_644 = arith.constant 1.000000e+00 : f32
      %sub3A_645 = vector.broadcast %sub3A_644 : f32 to vector<16xf32>
      %sub3A_646 = arith.subf %bitcast_convert_type3A_643, %sub3A_645 : vector<16xf32>
      %convert_element_type3A_647 = arith.sitofp %shift_right_arithmetic3A_638 : vector<16xi32> to vector<16xf32>
      %mul3A_648 = arith.mulf %sub3A_646, %sub3A_646 : vector<16xf32>
      %mul3A_649 = arith.constant 0.0703768358 : f32
      %mul3A_650 = vector.broadcast %mul3A_649 : f32 to vector<16xf32>
      %mul3A_651 = arith.mulf %mul3A_650, %sub3A_646 : vector<16xf32>
      %add3A_652 = arith.constant -0.115146101 : f32
      %add3A_653 = vector.broadcast %add3A_652 : f32 to vector<16xf32>
      %add3A_654 = arith.addf %mul3A_651, %add3A_653 : vector<16xf32>
      %mul3A_655 = arith.mulf %add3A_654, %sub3A_646 : vector<16xf32>
      %add3A_656 = arith.constant 0.116769984 : f32
      %add3A_657 = vector.broadcast %add3A_656 : f32 to vector<16xf32>
      %add3A_658 = arith.addf %mul3A_655, %add3A_657 : vector<16xf32>
      %mul3A_659 = arith.mulf %add3A_658, %sub3A_646 : vector<16xf32>
      %add3A_660 = arith.constant -0.12420141 : f32
      %add3A_661 = vector.broadcast %add3A_660 : f32 to vector<16xf32>
      %add3A_662 = arith.addf %mul3A_659, %add3A_661 : vector<16xf32>
      %mul3A_663 = arith.mulf %add3A_662, %sub3A_646 : vector<16xf32>
      %add3A_664 = arith.constant 0.142493233 : f32
      %add3A_665 = vector.broadcast %add3A_664 : f32 to vector<16xf32>
      %add3A_666 = arith.addf %mul3A_663, %add3A_665 : vector<16xf32>
      %mul3A_667 = arith.mulf %add3A_666, %sub3A_646 : vector<16xf32>
      %add3A_668 = arith.constant -0.166680574 : f32
      %add3A_669 = vector.broadcast %add3A_668 : f32 to vector<16xf32>
      %add3A_670 = arith.addf %mul3A_667, %add3A_669 : vector<16xf32>
      %mul3A_671 = arith.mulf %add3A_670, %sub3A_646 : vector<16xf32>
      %add3A_672 = arith.constant 0.200007141 : f32
      %add3A_673 = vector.broadcast %add3A_672 : f32 to vector<16xf32>
      %add3A_674 = arith.addf %mul3A_671, %add3A_673 : vector<16xf32>
      %mul3A_675 = arith.mulf %add3A_674, %sub3A_646 : vector<16xf32>
      %add3A_676 = arith.constant -0.24999994 : f32
      %add3A_677 = vector.broadcast %add3A_676 : f32 to vector<16xf32>
      %add3A_678 = arith.addf %mul3A_675, %add3A_677 : vector<16xf32>
      %mul3A_679 = arith.mulf %add3A_678, %sub3A_646 : vector<16xf32>
      %add3A_680 = arith.constant 0.333333313 : f32
      %add3A_681 = vector.broadcast %add3A_680 : f32 to vector<16xf32>
      %add3A_682 = arith.addf %mul3A_679, %add3A_681 : vector<16xf32>
      %mul3A_683 = arith.mulf %add3A_682, %sub3A_646 : vector<16xf32>
      %mul3A_684 = arith.mulf %mul3A_683, %mul3A_648 : vector<16xf32>
      %mul3A_685 = arith.constant -2.12194442E-4 : f32
      %mul3A_686 = vector.broadcast %mul3A_685 : f32 to vector<16xf32>
      %mul3A_687 = arith.mulf %convert_element_type3A_647, %mul3A_686 : vector<16xf32>
      %add3A_688 = arith.addf %mul3A_684, %mul3A_687 : vector<16xf32>
      %mul3A_689 = arith.constant 5.000000e-01 : f32
      %mul3A_690 = vector.broadcast %mul3A_689 : f32 to vector<16xf32>
      %mul3A_691 = arith.mulf %mul3A_690, %mul3A_648 : vector<16xf32>
      %sub3A_692 = arith.subf %add3A_688, %mul3A_691 : vector<16xf32>
      %add3A_693 = arith.addf %sub3A_646, %sub3A_692 : vector<16xf32>
      %mul3A_694 = arith.constant 0.693359375 : f32
      %mul3A_695 = vector.broadcast %mul3A_694 : f32 to vector<16xf32>
      %mul3A_696 = arith.mulf %convert_element_type3A_647, %mul3A_695 : vector<16xf32>
      %add3A_697 = arith.addf %add3A_693, %mul3A_696 : vector<16xf32>
      %neg3A_698 = arith.constant 0.000000e+00 : f32
      %neg3A_699 = vector.broadcast %neg3A_698 : f32 to vector<16xf32>
      %neg3A_700 = arith.subf %neg3A_699, %get3A_631 : vector<16xf32>
      %exp3A_701 = math.exp %neg3A_700 : vector<16xf32>
      %mul3A_702 = arith.mulf %add3A_697, %exp3A_701 : vector<16xf32>
      %add3A_703 = arith.addi %add3A_4, %add3A_625 : i32
      %add3A_704 = vector.broadcast %add3A_703 : i32 to vector<16xi32>
      %add3A_705 = arith.addi %iota3A, %add3A_704 : vector<16xi32>
      %gt3A_706 = arith.cmpf ogt, %mul3A_702, %scan3A_444 : vector<16xf32>
      %select_n3A_707 = arith.select %gt3A_706, %mul3A_702, %scan3A_444 : vector<16xi1>, vector<16xf32>
      %select_n3A_708 = arith.select %gt3A_706, %add3A_705, %scan3A_445 : vector<16xi1>, vector<16xi32>
      %add3A_709 = arith.constant 48 : i32
      %add3A_710 = arith.addi %mul3A_453, %add3A_709 : i32
      %get3A_711 = arith.index_cast %add3A_710 : i32 to index
      %get3A_712 = tpu.vector_load %arg6[%get3A_711] {strides = array<i32>} : memref<3808xf32, #tpu.memory_space<vmem>>, vector<16xf32>,
      %get3A_713 = vector.shape_cast %get3A_712 : vector<16xf32> to vector<16xf32>
      %get3A_714 = arith.index_cast %add3A_710 : i32 to index
      %get3A_715 = tpu.vector_load %arg7[%get3A_714] {strides = array<i32>} : memref<3808xf32, #tpu.memory_space<vmem>>, vector<16xf32>,
      %get3A_716 = vector.shape_cast %get3A_715 : vector<16xf32> to vector<16xf32>
      %bitcast_convert_type3A_717 = tpu.bitcast %get3A_713 : vector<16xf32> -> vector<16xi32>
      %sub3A_718 = arith.constant 1060439283 : i32
      %sub3A_719 = vector.broadcast %sub3A_718 : i32 to vector<16xi32>
      %sub3A_720 = arith.subi %bitcast_convert_type3A_717, %sub3A_719 : vector<16xi32>
      %shift_right_arithmetic3A_721 = arith.constant 23 : i32
      %shift_right_arithmetic3A_722 = vector.broadcast %shift_right_arithmetic3A_721 : i32 to vector<16xi32>
      %shift_right_arithmetic3A_723 = arith.shrsi %sub3A_720, %shift_right_arithmetic3A_722 : vector<16xi32>
      %shift_left3A_724 = arith.constant 23 : i32
      %shift_left3A_725 = vector.broadcast %shift_left3A_724 : i32 to vector<16xi32>
      %shift_left3A_726 = arith.shli %shift_right_arithmetic3A_723, %shift_left3A_725 : vector<16xi32>
      %sub3A_727 = arith.subi %bitcast_convert_type3A_717, %shift_left3A_726 : vector<16xi32>
      %bitcast_convert_type3A_728 = tpu.bitcast %sub3A_727 : vector<16xi32> -> vector<16xf32>
      %sub3A_729 = arith.constant 1.000000e+00 : f32
      %sub3A_730 = vector.broadcast %sub3A_729 : f32 to vector<16xf32>
      %sub3A_731 = arith.subf %bitcast_convert_type3A_728, %sub3A_730 : vector<16xf32>
      %convert_element_type3A_732 = arith.sitofp %shift_right_arithmetic3A_723 : vector<16xi32> to vector<16xf32>
      %mul3A_733 = arith.mulf %sub3A_731, %sub3A_731 : vector<16xf32>
      %mul3A_734 = arith.constant 0.0703768358 : f32
      %mul3A_735 = vector.broadcast %mul3A_734 : f32 to vector<16xf32>
      %mul3A_736 = arith.mulf %mul3A_735, %sub3A_731 : vector<16xf32>
      %add3A_737 = arith.constant -0.115146101 : f32
      %add3A_738 = vector.broadcast %add3A_737 : f32 to vector<16xf32>
      %add3A_739 = arith.addf %mul3A_736, %add3A_738 : vector<16xf32>
      %mul3A_740 = arith.mulf %add3A_739, %sub3A_731 : vector<16xf32>
      %add3A_741 = arith.constant 0.116769984 : f32
      %add3A_742 = vector.broadcast %add3A_741 : f32 to vector<16xf32>
      %add3A_743 = arith.addf %mul3A_740, %add3A_742 : vector<16xf32>
      %mul3A_744 = arith.mulf %add3A_743, %sub3A_731 : vector<16xf32>
      %add3A_745 = arith.constant -0.12420141 : f32
      %add3A_746 = vector.broadcast %add3A_745 : f32 to vector<16xf32>
      %add3A_747 = arith.addf %mul3A_744, %add3A_746 : vector<16xf32>
      %mul3A_748 = arith.mulf %add3A_747, %sub3A_731 : vector<16xf32>
      %add3A_749 = arith.constant 0.142493233 : f32
      %add3A_750 = vector.broadcast %add3A_749 : f32 to vector<16xf32>
      %add3A_751 = arith.addf %mul3A_748, %add3A_750 : vector<16xf32>
      %mul3A_752 = arith.mulf %add3A_751, %sub3A_731 : vector<16xf32>
      %add3A_753 = arith.constant -0.166680574 : f32
      %add3A_754 = vector.broadcast %add3A_753 : f32 to vector<16xf32>
      %add3A_755 = arith.addf %mul3A_752, %add3A_754 : vector<16xf32>
      %mul3A_756 = arith.mulf %add3A_755, %sub3A_731 : vector<16xf32>
      %add3A_757 = arith.constant 0.200007141 : f32
      %add3A_758 = vector.broadcast %add3A_757 : f32 to vector<16xf32>
      %add3A_759 = arith.addf %mul3A_756, %add3A_758 : vector<16xf32>
      %mul3A_760 = arith.mulf %add3A_759, %sub3A_731 : vector<16xf32>
      %add3A_761 = arith.constant -0.24999994 : f32
      %add3A_762 = vector.broadcast %add3A_761 : f32 to vector<16xf32>
      %add3A_763 = arith.addf %mul3A_760, %add3A_762 : vector<16xf32>
      %mul3A_764 = arith.mulf %add3A_763, %sub3A_731 : vector<16xf32>
      %add3A_765 = arith.constant 0.333333313 : f32
      %add3A_766 = vector.broadcast %add3A_765 : f32 to vector<16xf32>
      %add3A_767 = arith.addf %mul3A_764, %add3A_766 : vector<16xf32>
      %mul3A_768 = arith.mulf %add3A_767, %sub3A_731 : vector<16xf32>
      %mul3A_769 = arith.mulf %mul3A_768, %mul3A_733 : vector<16xf32>
      %mul3A_770 = arith.constant -2.12194442E-4 : f32
      %mul3A_771 = vector.broadcast %mul3A_770 : f32 to vector<16xf32>
      %mul3A_772 = arith.mulf %convert_element_type3A_732, %mul3A_771 : vector<16xf32>
      %add3A_773 = arith.addf %mul3A_769, %mul3A_772 : vector<16xf32>
      %mul3A_774 = arith.constant 5.000000e-01 : f32
      %mul3A_775 = vector.broadcast %mul3A_774 : f32 to vector<16xf32>
      %mul3A_776 = arith.mulf %mul3A_775, %mul3A_733 : vector<16xf32>
      %sub3A_777 = arith.subf %add3A_773, %mul3A_776 : vector<16xf32>
      %add3A_778 = arith.addf %sub3A_731, %sub3A_777 : vector<16xf32>
      %mul3A_779 = arith.constant 0.693359375 : f32
      %mul3A_780 = vector.broadcast %mul3A_779 : f32 to vector<16xf32>
      %mul3A_781 = arith.mulf %convert_element_type3A_732, %mul3A_780 : vector<16xf32>
      %add3A_782 = arith.addf %add3A_778, %mul3A_781 : vector<16xf32>
      %neg3A_783 = arith.constant 0.000000e+00 : f32
      %neg3A_784 = vector.broadcast %neg3A_783 : f32 to vector<16xf32>
      %neg3A_785 = arith.subf %neg3A_784, %get3A_716 : vector<16xf32>
      %exp3A_786 = math.exp %neg3A_785 : vector<16xf32>
      %mul3A_787 = arith.mulf %add3A_782, %exp3A_786 : vector<16xf32>
      %add3A_788 = arith.addi %add3A_4, %add3A_710 : i32
      %add3A_789 = vector.broadcast %add3A_788 : i32 to vector<16xi32>
      %add3A_790 = arith.addi %iota3A, %add3A_789 : vector<16xi32>
      %gt3A_791 = arith.cmpf ogt, %mul3A_787, %scan3A_446 : vector<16xf32>
      %select_n3A_792 = arith.select %gt3A_791, %mul3A_787, %scan3A_446 : vector<16xi1>, vector<16xf32>
      %select_n3A_793 = arith.select %gt3A_791, %add3A_790, %scan3A_447 : vector<16xi1>, vector<16xi32>
      %add3A_794 = arith.constant 64 : i32
      %add3A_795 = arith.addi %mul3A_453, %add3A_794 : i32
      %get3A_796 = arith.index_cast %add3A_795 : i32 to index
      %get3A_797 = tpu.vector_load %arg6[%get3A_796] {strides = array<i32>} : memref<3808xf32, #tpu.memory_space<vmem>>, vector<16xf32>,
      %get3A_798 = vector.shape_cast %get3A_797 : vector<16xf32> to vector<16xf32>
      %get3A_799 = arith.index_cast %add3A_795 : i32 to index
      %get3A_800 = tpu.vector_load %arg7[%get3A_799] {strides = array<i32>} : memref<3808xf32, #tpu.memory_space<vmem>>, vector<16xf32>,
      %get3A_801 = vector.shape_cast %get3A_800 : vector<16xf32> to vector<16xf32>
      %bitcast_convert_type3A_802 = tpu.bitcast %get3A_798 : vector<16xf32> -> vector<16xi32>
      %sub3A_803 = arith.constant 1060439283 : i32
      %sub3A_804 = vector.broadcast %sub3A_803 : i32 to vector<16xi32>
      %sub3A_805 = arith.subi %bitcast_convert_type3A_802, %sub3A_804 : vector<16xi32>
      %shift_right_arithmetic3A_806 = arith.constant 23 : i32
      %shift_right_arithmetic3A_807 = vector.broadcast %shift_right_arithmetic3A_806 : i32 to vector<16xi32>
      %shift_right_arithmetic3A_808 = arith.shrsi %sub3A_805, %shift_right_arithmetic3A_807 : vector<16xi32>
      %shift_left3A_809 = arith.constant 23 : i32
      %shift_left3A_810 = vector.broadcast %shift_left3A_809 : i32 to vector<16xi32>
      %shift_left3A_811 = arith.shli %shift_right_arithmetic3A_808, %shift_left3A_810 : vector<16xi32>
      %sub3A_812 = arith.subi %bitcast_convert_type3A_802, %shift_left3A_811 : vector<16xi32>
      %bitcast_convert_type3A_813 = tpu.bitcast %sub3A_812 : vector<16xi32> -> vector<16xf32>
      %sub3A_814 = arith.constant 1.000000e+00 : f32
      %sub3A_815 = vector.broadcast %sub3A_814 : f32 to vector<16xf32>
      %sub3A_816 = arith.subf %bitcast_convert_type3A_813, %sub3A_815 : vector<16xf32>
      %convert_element_type3A_817 = arith.sitofp %shift_right_arithmetic3A_808 : vector<16xi32> to vector<16xf32>
      %mul3A_818 = arith.mulf %sub3A_816, %sub3A_816 : vector<16xf32>
      %mul3A_819 = arith.constant 0.0703768358 : f32
      %mul3A_820 = vector.broadcast %mul3A_819 : f32 to vector<16xf32>
      %mul3A_821 = arith.mulf %mul3A_820, %sub3A_816 : vector<16xf32>
      %add3A_822 = arith.constant -0.115146101 : f32
      %add3A_823 = vector.broadcast %add3A_822 : f32 to vector<16xf32>
      %add3A_824 = arith.addf %mul3A_821, %add3A_823 : vector<16xf32>
      %mul3A_825 = arith.mulf %add3A_824, %sub3A_816 : vector<16xf32>
      %add3A_826 = arith.constant 0.116769984 : f32
      %add3A_827 = vector.broadcast %add3A_826 : f32 to vector<16xf32>
      %add3A_828 = arith.addf %mul3A_825, %add3A_827 : vector<16xf32>
      %mul3A_829 = arith.mulf %add3A_828, %sub3A_816 : vector<16xf32>
      %add3A_830 = arith.constant -0.12420141 : f32
      %add3A_831 = vector.broadcast %add3A_830 : f32 to vector<16xf32>
      %add3A_832 = arith.addf %mul3A_829, %add3A_831 : vector<16xf32>
      %mul3A_833 = arith.mulf %add3A_832, %sub3A_816 : vector<16xf32>
      %add3A_834 = arith.constant 0.142493233 : f32
      %add3A_835 = vector.broadcast %add3A_834 : f32 to vector<16xf32>
      %add3A_836 = arith.addf %mul3A_833, %add3A_835 : vector<16xf32>
      %mul3A_837 = arith.mulf %add3A_836, %sub3A_816 : vector<16xf32>
      %add3A_838 = arith.constant -0.166680574 : f32
      %add3A_839 = vector.broadcast %add3A_838 : f32 to vector<16xf32>
      %add3A_840 = arith.addf %mul3A_837, %add3A_839 : vector<16xf32>
      %mul3A_841 = arith.mulf %add3A_840, %sub3A_816 : vector<16xf32>
      %add3A_842 = arith.constant 0.200007141 : f32
      %add3A_843 = vector.broadcast %add3A_842 : f32 to vector<16xf32>
      %add3A_844 = arith.addf %mul3A_841, %add3A_843 : vector<16xf32>
      %mul3A_845 = arith.mulf %add3A_844, %sub3A_816 : vector<16xf32>
      %add3A_846 = arith.constant -0.24999994 : f32
      %add3A_847 = vector.broadcast %add3A_846 : f32 to vector<16xf32>
      %add3A_848 = arith.addf %mul3A_845, %add3A_847 : vector<16xf32>
      %mul3A_849 = arith.mulf %add3A_848, %sub3A_816 : vector<16xf32>
      %add3A_850 = arith.constant 0.333333313 : f32
      %add3A_851 = vector.broadcast %add3A_850 : f32 to vector<16xf32>
      %add3A_852 = arith.addf %mul3A_849, %add3A_851 : vector<16xf32>
      %mul3A_853 = arith.mulf %add3A_852, %sub3A_816 : vector<16xf32>
      %mul3A_854 = arith.mulf %mul3A_853, %mul3A_818 : vector<16xf32>
      %mul3A_855 = arith.constant -2.12194442E-4 : f32
      %mul3A_856 = vector.broadcast %mul3A_855 : f32 to vector<16xf32>
      %mul3A_857 = arith.mulf %convert_element_type3A_817, %mul3A_856 : vector<16xf32>
      %add3A_858 = arith.addf %mul3A_854, %mul3A_857 : vector<16xf32>
      %mul3A_859 = arith.constant 5.000000e-01 : f32
      %mul3A_860 = vector.broadcast %mul3A_859 : f32 to vector<16xf32>
      %mul3A_861 = arith.mulf %mul3A_860, %mul3A_818 : vector<16xf32>
      %sub3A_862 = arith.subf %add3A_858, %mul3A_861 : vector<16xf32>
      %add3A_863 = arith.addf %sub3A_816, %sub3A_862 : vector<16xf32>
      %mul3A_864 = arith.constant 0.693359375 : f32
      %mul3A_865 = vector.broadcast %mul3A_864 : f32 to vector<16xf32>
      %mul3A_866 = arith.mulf %convert_element_type3A_817, %mul3A_865 : vector<16xf32>
      %add3A_867 = arith.addf %add3A_863, %mul3A_866 : vector<16xf32>
      %neg3A_868 = arith.constant 0.000000e+00 : f32
      %neg3A_869 = vector.broadcast %neg3A_868 : f32 to vector<16xf32>
      %neg3A_870 = arith.subf %neg3A_869, %get3A_801 : vector<16xf32>
      %exp3A_871 = math.exp %neg3A_870 : vector<16xf32>
      %mul3A_872 = arith.mulf %add3A_867, %exp3A_871 : vector<16xf32>
      %add3A_873 = arith.addi %add3A_4, %add3A_795 : i32
      %add3A_874 = vector.broadcast %add3A_873 : i32 to vector<16xi32>
      %add3A_875 = arith.addi %iota3A, %add3A_874 : vector<16xi32>
      %gt3A_876 = arith.cmpf ogt, %mul3A_872, %scan3A_448 : vector<16xf32>
      %select_n3A_877 = arith.select %gt3A_876, %mul3A_872, %scan3A_448 : vector<16xi1>, vector<16xf32>
      %select_n3A_878 = arith.select %gt3A_876, %add3A_875, %scan3A_449 : vector<16xi1>, vector<16xi32>
      %add3A_879 = arith.constant 80 : i32
      %add3A_880 = arith.addi %mul3A_453, %add3A_879 : i32
      %get3A_881 = arith.index_cast %add3A_880 : i32 to index
      %get3A_882 = tpu.vector_load %arg6[%get3A_881] {strides = array<i32>} : memref<3808xf32, #tpu.memory_space<vmem>>, vector<16xf32>,
      %get3A_883 = vector.shape_cast %get3A_882 : vector<16xf32> to vector<16xf32>
      %get3A_884 = arith.index_cast %add3A_880 : i32 to index
      %get3A_885 = tpu.vector_load %arg7[%get3A_884] {strides = array<i32>} : memref<3808xf32, #tpu.memory_space<vmem>>, vector<16xf32>,
      %get3A_886 = vector.shape_cast %get3A_885 : vector<16xf32> to vector<16xf32>
      %bitcast_convert_type3A_887 = tpu.bitcast %get3A_883 : vector<16xf32> -> vector<16xi32>
      %sub3A_888 = arith.constant 1060439283 : i32
      %sub3A_889 = vector.broadcast %sub3A_888 : i32 to vector<16xi32>
      %sub3A_890 = arith.subi %bitcast_convert_type3A_887, %sub3A_889 : vector<16xi32>
      %shift_right_arithmetic3A_891 = arith.constant 23 : i32
      %shift_right_arithmetic3A_892 = vector.broadcast %shift_right_arithmetic3A_891 : i32 to vector<16xi32>
      %shift_right_arithmetic3A_893 = arith.shrsi %sub3A_890, %shift_right_arithmetic3A_892 : vector<16xi32>
      %shift_left3A_894 = arith.constant 23 : i32
      %shift_left3A_895 = vector.broadcast %shift_left3A_894 : i32 to vector<16xi32>
      %shift_left3A_896 = arith.shli %shift_right_arithmetic3A_893, %shift_left3A_895 : vector<16xi32>
      %sub3A_897 = arith.subi %bitcast_convert_type3A_887, %shift_left3A_896 : vector<16xi32>
      %bitcast_convert_type3A_898 = tpu.bitcast %sub3A_897 : vector<16xi32> -> vector<16xf32>
      %sub3A_899 = arith.constant 1.000000e+00 : f32
      %sub3A_900 = vector.broadcast %sub3A_899 : f32 to vector<16xf32>
      %sub3A_901 = arith.subf %bitcast_convert_type3A_898, %sub3A_900 : vector<16xf32>
      %convert_element_type3A_902 = arith.sitofp %shift_right_arithmetic3A_893 : vector<16xi32> to vector<16xf32>
      %mul3A_903 = arith.mulf %sub3A_901, %sub3A_901 : vector<16xf32>
      %mul3A_904 = arith.constant 0.0703768358 : f32
      %mul3A_905 = vector.broadcast %mul3A_904 : f32 to vector<16xf32>
      %mul3A_906 = arith.mulf %mul3A_905, %sub3A_901 : vector<16xf32>
      %add3A_907 = arith.constant -0.115146101 : f32
      %add3A_908 = vector.broadcast %add3A_907 : f32 to vector<16xf32>
      %add3A_909 = arith.addf %mul3A_906, %add3A_908 : vector<16xf32>
      %mul3A_910 = arith.mulf %add3A_909, %sub3A_901 : vector<16xf32>
      %add3A_911 = arith.constant 0.116769984 : f32
      %add3A_912 = vector.broadcast %add3A_911 : f32 to vector<16xf32>
      %add3A_913 = arith.addf %mul3A_910, %add3A_912 : vector<16xf32>
      %mul3A_914 = arith.mulf %add3A_913, %sub3A_901 : vector<16xf32>
      %add3A_915 = arith.constant -0.12420141 : f32
      %add3A_916 = vector.broadcast %add3A_915 : f32 to vector<16xf32>
      %add3A_917 = arith.addf %mul3A_914, %add3A_916 : vector<16xf32>
      %mul3A_918 = arith.mulf %add3A_917, %sub3A_901 : vector<16xf32>
      %add3A_919 = arith.constant 0.142493233 : f32
      %add3A_920 = vector.broadcast %add3A_919 : f32 to vector<16xf32>
      %add3A_921 = arith.addf %mul3A_918, %add3A_920 : vector<16xf32>
      %mul3A_922 = arith.mulf %add3A_921, %sub3A_901 : vector<16xf32>
      %add3A_923 = arith.constant -0.166680574 : f32
      %add3A_924 = vector.broadcast %add3A_923 : f32 to vector<16xf32>
      %add3A_925 = arith.addf %mul3A_922, %add3A_924 : vector<16xf32>
      %mul3A_926 = arith.mulf %add3A_925, %sub3A_901 : vector<16xf32>
      %add3A_927 = arith.constant 0.200007141 : f32
      %add3A_928 = vector.broadcast %add3A_927 : f32 to vector<16xf32>
      %add3A_929 = arith.addf %mul3A_926, %add3A_928 : vector<16xf32>
      %mul3A_930 = arith.mulf %add3A_929, %sub3A_901 : vector<16xf32>
      %add3A_931 = arith.constant -0.24999994 : f32
      %add3A_932 = vector.broadcast %add3A_931 : f32 to vector<16xf32>
      %add3A_933 = arith.addf %mul3A_930, %add3A_932 : vector<16xf32>
      %mul3A_934 = arith.mulf %add3A_933, %sub3A_901 : vector<16xf32>
      %add3A_935 = arith.constant 0.333333313 : f32
      %add3A_936 = vector.broadcast %add3A_935 : f32 to vector<16xf32>
      %add3A_937 = arith.addf %mul3A_934, %add3A_936 : vector<16xf32>
      %mul3A_938 = arith.mulf %add3A_937, %sub3A_901 : vector<16xf32>
      %mul3A_939 = arith.mulf %mul3A_938, %mul3A_903 : vector<16xf32>
      %mul3A_940 = arith.constant -2.12194442E-4 : f32
      %mul3A_941 = vector.broadcast %mul3A_940 : f32 to vector<16xf32>
      %mul3A_942 = arith.mulf %convert_element_type3A_902, %mul3A_941 : vector<16xf32>
      %add3A_943 = arith.addf %mul3A_939, %mul3A_942 : vector<16xf32>
      %mul3A_944 = arith.constant 5.000000e-01 : f32
      %mul3A_945 = vector.broadcast %mul3A_944 : f32 to vector<16xf32>
      %mul3A_946 = arith.mulf %mul3A_945, %mul3A_903 : vector<16xf32>
      %sub3A_947 = arith.subf %add3A_943, %mul3A_946 : vector<16xf32>
      %add3A_948 = arith.addf %sub3A_901, %sub3A_947 : vector<16xf32>
      %mul3A_949 = arith.constant 0.693359375 : f32
      %mul3A_950 = vector.broadcast %mul3A_949 : f32 to vector<16xf32>
      %mul3A_951 = arith.mulf %convert_element_type3A_902, %mul3A_950 : vector<16xf32>
      %add3A_952 = arith.addf %add3A_948, %mul3A_951 : vector<16xf32>
      %neg3A_953 = arith.constant 0.000000e+00 : f32
      %neg3A_954 = vector.broadcast %neg3A_953 : f32 to vector<16xf32>
      %neg3A_955 = arith.subf %neg3A_954, %get3A_886 : vector<16xf32>
      %exp3A_956 = math.exp %neg3A_955 : vector<16xf32>
      %mul3A_957 = arith.mulf %add3A_952, %exp3A_956 : vector<16xf32>
      %add3A_958 = arith.addi %add3A_4, %add3A_880 : i32
      %add3A_959 = vector.broadcast %add3A_958 : i32 to vector<16xi32>
      %add3A_960 = arith.addi %iota3A, %add3A_959 : vector<16xi32>
      %gt3A_961 = arith.cmpf ogt, %mul3A_957, %scan3A_450 : vector<16xf32>
      %select_n3A_962 = arith.select %gt3A_961, %mul3A_957, %scan3A_450 : vector<16xi1>, vector<16xf32>
      %select_n3A_963 = arith.select %gt3A_961, %add3A_960, %scan3A_451 : vector<16xi1>, vector<16xi32>
      scf.yield %select_n3A_537, %select_n3A_538, %select_n3A_622, %select_n3A_623, %select_n3A_707, %select_n3A_708, %select_n3A_792, %select_n3A_793, %select_n3A_877, %select_n3A_878, %select_n3A_962, %select_n3A_963 : vector<16xf32>, vector<16xi32>, vector<16xf32>, vector<16xi32>, vector<16xf32>, vector<16xi32>, vector<16xf32>, vector<16xi32>, vector<16xf32>, vector<16xi32>, vector<16xf32>, vector<16xi32>
    }
    %scan3A_66 = arith.constant 39 : i32
    %get3A = arith.constant 3744 : index
    %get3A_67 = tpu.vector_load %arg6[%get3A] {strides = array<i32>} : memref<3808xf32, #tpu.memory_space<vmem>>, vector<16xf32>,
    %get3A_68 = vector.shape_cast %get3A_67 : vector<16xf32> to vector<16xf32>
    %get3A_69 = arith.constant 3744 : index
    %get3A_70 = tpu.vector_load %arg7[%get3A_69] {strides = array<i32>} : memref<3808xf32, #tpu.memory_space<vmem>>, vector<16xf32>,
    %get3A_71 = vector.shape_cast %get3A_70 : vector<16xf32> to vector<16xf32>
    %bitcast_convert_type3A = tpu.bitcast %get3A_68 : vector<16xf32> -> vector<16xi32>
    %sub3A = arith.constant 1060439283 : i32
    %sub3A_72 = vector.broadcast %sub3A : i32 to vector<16xi32>
    %sub3A_73 = arith.subi %bitcast_convert_type3A, %sub3A_72 : vector<16xi32>
    %shift_right_arithmetic3A = arith.constant 23 : i32
    %shift_right_arithmetic3A_74 = vector.broadcast %shift_right_arithmetic3A : i32 to vector<16xi32>
    %shift_right_arithmetic3A_75 = arith.shrsi %sub3A_73, %shift_right_arithmetic3A_74 : vector<16xi32>
    %shift_left3A = arith.constant 23 : i32
    %shift_left3A_76 = vector.broadcast %shift_left3A : i32 to vector<16xi32>
    %shift_left3A_77 = arith.shli %shift_right_arithmetic3A_75, %shift_left3A_76 : vector<16xi32>
    %sub3A_78 = arith.subi %bitcast_convert_type3A, %shift_left3A_77 : vector<16xi32>
    %bitcast_convert_type3A_79 = tpu.bitcast %sub3A_78 : vector<16xi32> -> vector<16xf32>
    %sub3A_80 = arith.constant 1.000000e+00 : f32
    %sub3A_81 = vector.broadcast %sub3A_80 : f32 to vector<16xf32>
    %sub3A_82 = arith.subf %bitcast_convert_type3A_79, %sub3A_81 : vector<16xf32>
    %convert_element_type3A = arith.sitofp %shift_right_arithmetic3A_75 : vector<16xi32> to vector<16xf32>
    %mul3A_83 = arith.mulf %sub3A_82, %sub3A_82 : vector<16xf32>
    %mul3A_84 = arith.constant 0.0703768358 : f32
    %mul3A_85 = vector.broadcast %mul3A_84 : f32 to vector<16xf32>
    %mul3A_86 = arith.mulf %mul3A_85, %sub3A_82 : vector<16xf32>
    %add3A_87 = arith.constant -0.115146101 : f32
    %add3A_88 = vector.broadcast %add3A_87 : f32 to vector<16xf32>
    %add3A_89 = arith.addf %mul3A_86, %add3A_88 : vector<16xf32>
    %mul3A_90 = arith.mulf %add3A_89, %sub3A_82 : vector<16xf32>
    %add3A_91 = arith.constant 0.116769984 : f32
    %add3A_92 = vector.broadcast %add3A_91 : f32 to vector<16xf32>
    %add3A_93 = arith.addf %mul3A_90, %add3A_92 : vector<16xf32>
    %mul3A_94 = arith.mulf %add3A_93, %sub3A_82 : vector<16xf32>
    %add3A_95 = arith.constant -0.12420141 : f32
    %add3A_96 = vector.broadcast %add3A_95 : f32 to vector<16xf32>
    %add3A_97 = arith.addf %mul3A_94, %add3A_96 : vector<16xf32>
    %mul3A_98 = arith.mulf %add3A_97, %sub3A_82 : vector<16xf32>
    %add3A_99 = arith.constant 0.142493233 : f32
    %add3A_100 = vector.broadcast %add3A_99 : f32 to vector<16xf32>
    %add3A_101 = arith.addf %mul3A_98, %add3A_100 : vector<16xf32>
    %mul3A_102 = arith.mulf %add3A_101, %sub3A_82 : vector<16xf32>
    %add3A_103 = arith.constant -0.166680574 : f32
    %add3A_104 = vector.broadcast %add3A_103 : f32 to vector<16xf32>
    %add3A_105 = arith.addf %mul3A_102, %add3A_104 : vector<16xf32>
    %mul3A_106 = arith.mulf %add3A_105, %sub3A_82 : vector<16xf32>
    %add3A_107 = arith.constant 0.200007141 : f32
    %add3A_108 = vector.broadcast %add3A_107 : f32 to vector<16xf32>
    %add3A_109 = arith.addf %mul3A_106, %add3A_108 : vector<16xf32>
    %mul3A_110 = arith.mulf %add3A_109, %sub3A_82 : vector<16xf32>
    %add3A_111 = arith.constant -0.24999994 : f32
    %add3A_112 = vector.broadcast %add3A_111 : f32 to vector<16xf32>
    %add3A_113 = arith.addf %mul3A_110, %add3A_112 : vector<16xf32>
    %mul3A_114 = arith.mulf %add3A_113, %sub3A_82 : vector<16xf32>
    %add3A_115 = arith.constant 0.333333313 : f32
    %add3A_116 = vector.broadcast %add3A_115 : f32 to vector<16xf32>
    %add3A_117 = arith.addf %mul3A_114, %add3A_116 : vector<16xf32>
    %mul3A_118 = arith.mulf %add3A_117, %sub3A_82 : vector<16xf32>
    %mul3A_119 = arith.mulf %mul3A_118, %mul3A_83 : vector<16xf32>
    %mul3A_120 = arith.constant -2.12194442E-4 : f32
    %mul3A_121 = vector.broadcast %mul3A_120 : f32 to vector<16xf32>
    %mul3A_122 = arith.mulf %convert_element_type3A, %mul3A_121 : vector<16xf32>
    %add3A_123 = arith.addf %mul3A_119, %mul3A_122 : vector<16xf32>
    %mul3A_124 = arith.constant 5.000000e-01 : f32
    %mul3A_125 = vector.broadcast %mul3A_124 : f32 to vector<16xf32>
    %mul3A_126 = arith.mulf %mul3A_125, %mul3A_83 : vector<16xf32>
    %sub3A_127 = arith.subf %add3A_123, %mul3A_126 : vector<16xf32>
    %add3A_128 = arith.addf %sub3A_82, %sub3A_127 : vector<16xf32>
    %mul3A_129 = arith.constant 0.693359375 : f32
    %mul3A_130 = vector.broadcast %mul3A_129 : f32 to vector<16xf32>
    %mul3A_131 = arith.mulf %convert_element_type3A, %mul3A_130 : vector<16xf32>
    %add3A_132 = arith.addf %add3A_128, %mul3A_131 : vector<16xf32>
    %neg3A = arith.constant 0.000000e+00 : f32
    %neg3A_133 = vector.broadcast %neg3A : f32 to vector<16xf32>
    %neg3A_134 = arith.subf %neg3A_133, %get3A_71 : vector<16xf32>
    %exp3A = math.exp %neg3A_134 : vector<16xf32>
    %mul3A_135 = arith.mulf %add3A_132, %exp3A : vector<16xf32>
    %add3A_136 = arith.constant 999936 : i32
    %add3A_137 = vector.broadcast %add3A_136 : i32 to vector<16xi32>
    %add3A_138 = arith.addi %iota3A, %add3A_137 : vector<16xi32>
    %gt3A = arith.cmpf ogt, %mul3A_135, %scan3A_65#0 : vector<16xf32>
    %select_n3A = arith.select %gt3A, %mul3A_135, %scan3A_65#0 : vector<16xi1>, vector<16xf32>
    %select_n3A_139 = arith.select %gt3A, %add3A_138, %scan3A_65#1 : vector<16xi1>, vector<16xi32>
    %get3A_140 = arith.constant 3760 : index
    %get3A_141 = tpu.vector_load %arg6[%get3A_140] {strides = array<i32>} : memref<3808xf32, #tpu.memory_space<vmem>>, vector<16xf32>,
    %get3A_142 = vector.shape_cast %get3A_141 : vector<16xf32> to vector<16xf32>
    %get3A_143 = arith.constant 3760 : index
    %get3A_144 = tpu.vector_load %arg7[%get3A_143] {strides = array<i32>} : memref<3808xf32, #tpu.memory_space<vmem>>, vector<16xf32>,
    %get3A_145 = vector.shape_cast %get3A_144 : vector<16xf32> to vector<16xf32>
    %bitcast_convert_type3A_146 = tpu.bitcast %get3A_142 : vector<16xf32> -> vector<16xi32>
    %sub3A_147 = arith.constant 1060439283 : i32
    %sub3A_148 = vector.broadcast %sub3A_147 : i32 to vector<16xi32>
    %sub3A_149 = arith.subi %bitcast_convert_type3A_146, %sub3A_148 : vector<16xi32>
    %shift_right_arithmetic3A_150 = arith.constant 23 : i32
    %shift_right_arithmetic3A_151 = vector.broadcast %shift_right_arithmetic3A_150 : i32 to vector<16xi32>
    %shift_right_arithmetic3A_152 = arith.shrsi %sub3A_149, %shift_right_arithmetic3A_151 : vector<16xi32>
    %shift_left3A_153 = arith.constant 23 : i32
    %shift_left3A_154 = vector.broadcast %shift_left3A_153 : i32 to vector<16xi32>
    %shift_left3A_155 = arith.shli %shift_right_arithmetic3A_152, %shift_left3A_154 : vector<16xi32>
    %sub3A_156 = arith.subi %bitcast_convert_type3A_146, %shift_left3A_155 : vector<16xi32>
    %bitcast_convert_type3A_157 = tpu.bitcast %sub3A_156 : vector<16xi32> -> vector<16xf32>
    %sub3A_158 = arith.constant 1.000000e+00 : f32
    %sub3A_159 = vector.broadcast %sub3A_158 : f32 to vector<16xf32>
    %sub3A_160 = arith.subf %bitcast_convert_type3A_157, %sub3A_159 : vector<16xf32>
    %convert_element_type3A_161 = arith.sitofp %shift_right_arithmetic3A_152 : vector<16xi32> to vector<16xf32>
    %mul3A_162 = arith.mulf %sub3A_160, %sub3A_160 : vector<16xf32>
    %mul3A_163 = arith.constant 0.0703768358 : f32
    %mul3A_164 = vector.broadcast %mul3A_163 : f32 to vector<16xf32>
    %mul3A_165 = arith.mulf %mul3A_164, %sub3A_160 : vector<16xf32>
    %add3A_166 = arith.constant -0.115146101 : f32
    %add3A_167 = vector.broadcast %add3A_166 : f32 to vector<16xf32>
    %add3A_168 = arith.addf %mul3A_165, %add3A_167 : vector<16xf32>
    %mul3A_169 = arith.mulf %add3A_168, %sub3A_160 : vector<16xf32>
    %add3A_170 = arith.constant 0.116769984 : f32
    %add3A_171 = vector.broadcast %add3A_170 : f32 to vector<16xf32>
    %add3A_172 = arith.addf %mul3A_169, %add3A_171 : vector<16xf32>
    %mul3A_173 = arith.mulf %add3A_172, %sub3A_160 : vector<16xf32>
    %add3A_174 = arith.constant -0.12420141 : f32
    %add3A_175 = vector.broadcast %add3A_174 : f32 to vector<16xf32>
    %add3A_176 = arith.addf %mul3A_173, %add3A_175 : vector<16xf32>
    %mul3A_177 = arith.mulf %add3A_176, %sub3A_160 : vector<16xf32>
    %add3A_178 = arith.constant 0.142493233 : f32
    %add3A_179 = vector.broadcast %add3A_178 : f32 to vector<16xf32>
    %add3A_180 = arith.addf %mul3A_177, %add3A_179 : vector<16xf32>
    %mul3A_181 = arith.mulf %add3A_180, %sub3A_160 : vector<16xf32>
    %add3A_182 = arith.constant -0.166680574 : f32
    %add3A_183 = vector.broadcast %add3A_182 : f32 to vector<16xf32>
    %add3A_184 = arith.addf %mul3A_181, %add3A_183 : vector<16xf32>
    %mul3A_185 = arith.mulf %add3A_184, %sub3A_160 : vector<16xf32>
    %add3A_186 = arith.constant 0.200007141 : f32
    %add3A_187 = vector.broadcast %add3A_186 : f32 to vector<16xf32>
    %add3A_188 = arith.addf %mul3A_185, %add3A_187 : vector<16xf32>
    %mul3A_189 = arith.mulf %add3A_188, %sub3A_160 : vector<16xf32>
    %add3A_190 = arith.constant -0.24999994 : f32
    %add3A_191 = vector.broadcast %add3A_190 : f32 to vector<16xf32>
    %add3A_192 = arith.addf %mul3A_189, %add3A_191 : vector<16xf32>
    %mul3A_193 = arith.mulf %add3A_192, %sub3A_160 : vector<16xf32>
    %add3A_194 = arith.constant 0.333333313 : f32
    %add3A_195 = vector.broadcast %add3A_194 : f32 to vector<16xf32>
    %add3A_196 = arith.addf %mul3A_193, %add3A_195 : vector<16xf32>
    %mul3A_197 = arith.mulf %add3A_196, %sub3A_160 : vector<16xf32>
    %mul3A_198 = arith.mulf %mul3A_197, %mul3A_162 : vector<16xf32>
    %mul3A_199 = arith.constant -2.12194442E-4 : f32
    %mul3A_200 = vector.broadcast %mul3A_199 : f32 to vector<16xf32>
    %mul3A_201 = arith.mulf %convert_element_type3A_161, %mul3A_200 : vector<16xf32>
    %add3A_202 = arith.addf %mul3A_198, %mul3A_201 : vector<16xf32>
    %mul3A_203 = arith.constant 5.000000e-01 : f32
    %mul3A_204 = vector.broadcast %mul3A_203 : f32 to vector<16xf32>
    %mul3A_205 = arith.mulf %mul3A_204, %mul3A_162 : vector<16xf32>
    %sub3A_206 = arith.subf %add3A_202, %mul3A_205 : vector<16xf32>
    %add3A_207 = arith.addf %sub3A_160, %sub3A_206 : vector<16xf32>
    %mul3A_208 = arith.constant 0.693359375 : f32
    %mul3A_209 = vector.broadcast %mul3A_208 : f32 to vector<16xf32>
    %mul3A_210 = arith.mulf %convert_element_type3A_161, %mul3A_209 : vector<16xf32>
    %add3A_211 = arith.addf %add3A_207, %mul3A_210 : vector<16xf32>
    %neg3A_212 = arith.constant 0.000000e+00 : f32
    %neg3A_213 = vector.broadcast %neg3A_212 : f32 to vector<16xf32>
    %neg3A_214 = arith.subf %neg3A_213, %get3A_145 : vector<16xf32>
    %exp3A_215 = math.exp %neg3A_214 : vector<16xf32>
    %mul3A_216 = arith.mulf %add3A_211, %exp3A_215 : vector<16xf32>
    %add3A_217 = arith.constant 999952 : i32
    %add3A_218 = vector.broadcast %add3A_217 : i32 to vector<16xi32>
    %add3A_219 = arith.addi %iota3A, %add3A_218 : vector<16xi32>
    %gt3A_220 = arith.cmpf ogt, %mul3A_216, %scan3A_65#2 : vector<16xf32>
    %select_n3A_221 = arith.select %gt3A_220, %mul3A_216, %scan3A_65#2 : vector<16xi1>, vector<16xf32>
    %select_n3A_222 = arith.select %gt3A_220, %add3A_219, %scan3A_65#3 : vector<16xi1>, vector<16xi32>
    %get3A_223 = arith.constant 3776 : index
    %get3A_224 = tpu.vector_load %arg6[%get3A_223] {strides = array<i32>} : memref<3808xf32, #tpu.memory_space<vmem>>, vector<16xf32>,
    %get3A_225 = vector.shape_cast %get3A_224 : vector<16xf32> to vector<16xf32>
    %get3A_226 = arith.constant 3776 : index
    %get3A_227 = tpu.vector_load %arg7[%get3A_226] {strides = array<i32>} : memref<3808xf32, #tpu.memory_space<vmem>>, vector<16xf32>,
    %get3A_228 = vector.shape_cast %get3A_227 : vector<16xf32> to vector<16xf32>
    %bitcast_convert_type3A_229 = tpu.bitcast %get3A_225 : vector<16xf32> -> vector<16xi32>
    %sub3A_230 = arith.constant 1060439283 : i32
    %sub3A_231 = vector.broadcast %sub3A_230 : i32 to vector<16xi32>
    %sub3A_232 = arith.subi %bitcast_convert_type3A_229, %sub3A_231 : vector<16xi32>
    %shift_right_arithmetic3A_233 = arith.constant 23 : i32
    %shift_right_arithmetic3A_234 = vector.broadcast %shift_right_arithmetic3A_233 : i32 to vector<16xi32>
    %shift_right_arithmetic3A_235 = arith.shrsi %sub3A_232, %shift_right_arithmetic3A_234 : vector<16xi32>
    %shift_left3A_236 = arith.constant 23 : i32
    %shift_left3A_237 = vector.broadcast %shift_left3A_236 : i32 to vector<16xi32>
    %shift_left3A_238 = arith.shli %shift_right_arithmetic3A_235, %shift_left3A_237 : vector<16xi32>
    %sub3A_239 = arith.subi %bitcast_convert_type3A_229, %shift_left3A_238 : vector<16xi32>
    %bitcast_convert_type3A_240 = tpu.bitcast %sub3A_239 : vector<16xi32> -> vector<16xf32>
    %sub3A_241 = arith.constant 1.000000e+00 : f32
    %sub3A_242 = vector.broadcast %sub3A_241 : f32 to vector<16xf32>
    %sub3A_243 = arith.subf %bitcast_convert_type3A_240, %sub3A_242 : vector<16xf32>
    %convert_element_type3A_244 = arith.sitofp %shift_right_arithmetic3A_235 : vector<16xi32> to vector<16xf32>
    %mul3A_245 = arith.mulf %sub3A_243, %sub3A_243 : vector<16xf32>
    %mul3A_246 = arith.constant 0.0703768358 : f32
    %mul3A_247 = vector.broadcast %mul3A_246 : f32 to vector<16xf32>
    %mul3A_248 = arith.mulf %mul3A_247, %sub3A_243 : vector<16xf32>
    %add3A_249 = arith.constant -0.115146101 : f32
    %add3A_250 = vector.broadcast %add3A_249 : f32 to vector<16xf32>
    %add3A_251 = arith.addf %mul3A_248, %add3A_250 : vector<16xf32>
    %mul3A_252 = arith.mulf %add3A_251, %sub3A_243 : vector<16xf32>
    %add3A_253 = arith.constant 0.116769984 : f32
    %add3A_254 = vector.broadcast %add3A_253 : f32 to vector<16xf32>
    %add3A_255 = arith.addf %mul3A_252, %add3A_254 : vector<16xf32>
    %mul3A_256 = arith.mulf %add3A_255, %sub3A_243 : vector<16xf32>
    %add3A_257 = arith.constant -0.12420141 : f32
    %add3A_258 = vector.broadcast %add3A_257 : f32 to vector<16xf32>
    %add3A_259 = arith.addf %mul3A_256, %add3A_258 : vector<16xf32>
    %mul3A_260 = arith.mulf %add3A_259, %sub3A_243 : vector<16xf32>
    %add3A_261 = arith.constant 0.142493233 : f32
    %add3A_262 = vector.broadcast %add3A_261 : f32 to vector<16xf32>
    %add3A_263 = arith.addf %mul3A_260, %add3A_262 : vector<16xf32>
    %mul3A_264 = arith.mulf %add3A_263, %sub3A_243 : vector<16xf32>
    %add3A_265 = arith.constant -0.166680574 : f32
    %add3A_266 = vector.broadcast %add3A_265 : f32 to vector<16xf32>
    %add3A_267 = arith.addf %mul3A_264, %add3A_266 : vector<16xf32>
    %mul3A_268 = arith.mulf %add3A_267, %sub3A_243 : vector<16xf32>
    %add3A_269 = arith.constant 0.200007141 : f32
    %add3A_270 = vector.broadcast %add3A_269 : f32 to vector<16xf32>
    %add3A_271 = arith.addf %mul3A_268, %add3A_270 : vector<16xf32>
    %mul3A_272 = arith.mulf %add3A_271, %sub3A_243 : vector<16xf32>
    %add3A_273 = arith.constant -0.24999994 : f32
    %add3A_274 = vector.broadcast %add3A_273 : f32 to vector<16xf32>
    %add3A_275 = arith.addf %mul3A_272, %add3A_274 : vector<16xf32>
    %mul3A_276 = arith.mulf %add3A_275, %sub3A_243 : vector<16xf32>
    %add3A_277 = arith.constant 0.333333313 : f32
    %add3A_278 = vector.broadcast %add3A_277 : f32 to vector<16xf32>
    %add3A_279 = arith.addf %mul3A_276, %add3A_278 : vector<16xf32>
    %mul3A_280 = arith.mulf %add3A_279, %sub3A_243 : vector<16xf32>
    %mul3A_281 = arith.mulf %mul3A_280, %mul3A_245 : vector<16xf32>
    %mul3A_282 = arith.constant -2.12194442E-4 : f32
    %mul3A_283 = vector.broadcast %mul3A_282 : f32 to vector<16xf32>
    %mul3A_284 = arith.mulf %convert_element_type3A_244, %mul3A_283 : vector<16xf32>
    %add3A_285 = arith.addf %mul3A_281, %mul3A_284 : vector<16xf32>
    %mul3A_286 = arith.constant 5.000000e-01 : f32
    %mul3A_287 = vector.broadcast %mul3A_286 : f32 to vector<16xf32>
    %mul3A_288 = arith.mulf %mul3A_287, %mul3A_245 : vector<16xf32>
    %sub3A_289 = arith.subf %add3A_285, %mul3A_288 : vector<16xf32>
    %add3A_290 = arith.addf %sub3A_243, %sub3A_289 : vector<16xf32>
    %mul3A_291 = arith.constant 0.693359375 : f32
    %mul3A_292 = vector.broadcast %mul3A_291 : f32 to vector<16xf32>
    %mul3A_293 = arith.mulf %convert_element_type3A_244, %mul3A_292 : vector<16xf32>
    %add3A_294 = arith.addf %add3A_290, %mul3A_293 : vector<16xf32>
    %neg3A_295 = arith.constant 0.000000e+00 : f32
    %neg3A_296 = vector.broadcast %neg3A_295 : f32 to vector<16xf32>
    %neg3A_297 = arith.subf %neg3A_296, %get3A_228 : vector<16xf32>
    %exp3A_298 = math.exp %neg3A_297 : vector<16xf32>
    %mul3A_299 = arith.mulf %add3A_294, %exp3A_298 : vector<16xf32>
    %add3A_300 = arith.constant 999968 : i32
    %add3A_301 = vector.broadcast %add3A_300 : i32 to vector<16xi32>
    %add3A_302 = arith.addi %iota3A, %add3A_301 : vector<16xi32>
    %gt3A_303 = arith.cmpf ogt, %mul3A_299, %scan3A_65#4 : vector<16xf32>
    %select_n3A_304 = arith.select %gt3A_303, %mul3A_299, %scan3A_65#4 : vector<16xi1>, vector<16xf32>
    %select_n3A_305 = arith.select %gt3A_303, %add3A_302, %scan3A_65#5 : vector<16xi1>, vector<16xi32>
    %get3A_306 = arith.constant 3792 : index
    %get3A_307 = tpu.vector_load %arg6[%get3A_306] {strides = array<i32>} : memref<3808xf32, #tpu.memory_space<vmem>>, vector<16xf32>,
    %get3A_308 = vector.shape_cast %get3A_307 : vector<16xf32> to vector<16xf32>
    %get3A_309 = arith.constant 3792 : index
    %get3A_310 = tpu.vector_load %arg7[%get3A_309] {strides = array<i32>} : memref<3808xf32, #tpu.memory_space<vmem>>, vector<16xf32>,
    %get3A_311 = vector.shape_cast %get3A_310 : vector<16xf32> to vector<16xf32>
    %bitcast_convert_type3A_312 = tpu.bitcast %get3A_308 : vector<16xf32> -> vector<16xi32>
    %sub3A_313 = arith.constant 1060439283 : i32
    %sub3A_314 = vector.broadcast %sub3A_313 : i32 to vector<16xi32>
    %sub3A_315 = arith.subi %bitcast_convert_type3A_312, %sub3A_314 : vector<16xi32>
    %shift_right_arithmetic3A_316 = arith.constant 23 : i32
    %shift_right_arithmetic3A_317 = vector.broadcast %shift_right_arithmetic3A_316 : i32 to vector<16xi32>
    %shift_right_arithmetic3A_318 = arith.shrsi %sub3A_315, %shift_right_arithmetic3A_317 : vector<16xi32>
    %shift_left3A_319 = arith.constant 23 : i32
    %shift_left3A_320 = vector.broadcast %shift_left3A_319 : i32 to vector<16xi32>
    %shift_left3A_321 = arith.shli %shift_right_arithmetic3A_318, %shift_left3A_320 : vector<16xi32>
    %sub3A_322 = arith.subi %bitcast_convert_type3A_312, %shift_left3A_321 : vector<16xi32>
    %bitcast_convert_type3A_323 = tpu.bitcast %sub3A_322 : vector<16xi32> -> vector<16xf32>
    %sub3A_324 = arith.constant 1.000000e+00 : f32
    %sub3A_325 = vector.broadcast %sub3A_324 : f32 to vector<16xf32>
    %sub3A_326 = arith.subf %bitcast_convert_type3A_323, %sub3A_325 : vector<16xf32>
    %convert_element_type3A_327 = arith.sitofp %shift_right_arithmetic3A_318 : vector<16xi32> to vector<16xf32>
    %mul3A_328 = arith.mulf %sub3A_326, %sub3A_326 : vector<16xf32>
    %mul3A_329 = arith.constant 0.0703768358 : f32
    %mul3A_330 = vector.broadcast %mul3A_329 : f32 to vector<16xf32>
    %mul3A_331 = arith.mulf %mul3A_330, %sub3A_326 : vector<16xf32>
    %add3A_332 = arith.constant -0.115146101 : f32
    %add3A_333 = vector.broadcast %add3A_332 : f32 to vector<16xf32>
    %add3A_334 = arith.addf %mul3A_331, %add3A_333 : vector<16xf32>
    %mul3A_335 = arith.mulf %add3A_334, %sub3A_326 : vector<16xf32>
    %add3A_336 = arith.constant 0.116769984 : f32
    %add3A_337 = vector.broadcast %add3A_336 : f32 to vector<16xf32>
    %add3A_338 = arith.addf %mul3A_335, %add3A_337 : vector<16xf32>
    %mul3A_339 = arith.mulf %add3A_338, %sub3A_326 : vector<16xf32>
    %add3A_340 = arith.constant -0.12420141 : f32
    %add3A_341 = vector.broadcast %add3A_340 : f32 to vector<16xf32>
    %add3A_342 = arith.addf %mul3A_339, %add3A_341 : vector<16xf32>
    %mul3A_343 = arith.mulf %add3A_342, %sub3A_326 : vector<16xf32>
    %add3A_344 = arith.constant 0.142493233 : f32
    %add3A_345 = vector.broadcast %add3A_344 : f32 to vector<16xf32>
    %add3A_346 = arith.addf %mul3A_343, %add3A_345 : vector<16xf32>
    %mul3A_347 = arith.mulf %add3A_346, %sub3A_326 : vector<16xf32>
    %add3A_348 = arith.constant -0.166680574 : f32
    %add3A_349 = vector.broadcast %add3A_348 : f32 to vector<16xf32>
    %add3A_350 = arith.addf %mul3A_347, %add3A_349 : vector<16xf32>
    %mul3A_351 = arith.mulf %add3A_350, %sub3A_326 : vector<16xf32>
    %add3A_352 = arith.constant 0.200007141 : f32
    %add3A_353 = vector.broadcast %add3A_352 : f32 to vector<16xf32>
    %add3A_354 = arith.addf %mul3A_351, %add3A_353 : vector<16xf32>
    %mul3A_355 = arith.mulf %add3A_354, %sub3A_326 : vector<16xf32>
    %add3A_356 = arith.constant -0.24999994 : f32
    %add3A_357 = vector.broadcast %add3A_356 : f32 to vector<16xf32>
    %add3A_358 = arith.addf %mul3A_355, %add3A_357 : vector<16xf32>
    %mul3A_359 = arith.mulf %add3A_358, %sub3A_326 : vector<16xf32>
    %add3A_360 = arith.constant 0.333333313 : f32
    %add3A_361 = vector.broadcast %add3A_360 : f32 to vector<16xf32>
    %add3A_362 = arith.addf %mul3A_359, %add3A_361 : vector<16xf32>
    %mul3A_363 = arith.mulf %add3A_362, %sub3A_326 : vector<16xf32>
    %mul3A_364 = arith.mulf %mul3A_363, %mul3A_328 : vector<16xf32>
    %mul3A_365 = arith.constant -2.12194442E-4 : f32
    %mul3A_366 = vector.broadcast %mul3A_365 : f32 to vector<16xf32>
    %mul3A_367 = arith.mulf %convert_element_type3A_327, %mul3A_366 : vector<16xf32>
    %add3A_368 = arith.addf %mul3A_364, %mul3A_367 : vector<16xf32>
    %mul3A_369 = arith.constant 5.000000e-01 : f32
    %mul3A_370 = vector.broadcast %mul3A_369 : f32 to vector<16xf32>
    %mul3A_371 = arith.mulf %mul3A_370, %mul3A_328 : vector<16xf32>
    %sub3A_372 = arith.subf %add3A_368, %mul3A_371 : vector<16xf32>
    %add3A_373 = arith.addf %sub3A_326, %sub3A_372 : vector<16xf32>
    %mul3A_374 = arith.constant 0.693359375 : f32
    %mul3A_375 = vector.broadcast %mul3A_374 : f32 to vector<16xf32>
    %mul3A_376 = arith.mulf %convert_element_type3A_327, %mul3A_375 : vector<16xf32>
    %add3A_377 = arith.addf %add3A_373, %mul3A_376 : vector<16xf32>
    %neg3A_378 = arith.constant 0.000000e+00 : f32
    %neg3A_379 = vector.broadcast %neg3A_378 : f32 to vector<16xf32>
    %neg3A_380 = arith.subf %neg3A_379, %get3A_311 : vector<16xf32>
    %exp3A_381 = math.exp %neg3A_380 : vector<16xf32>
    %mul3A_382 = arith.mulf %add3A_377, %exp3A_381 : vector<16xf32>
    %add3A_383 = arith.constant 999984 : i32
    %add3A_384 = vector.broadcast %add3A_383 : i32 to vector<16xi32>
    %add3A_385 = arith.addi %iota3A, %add3A_384 : vector<16xi32>
    %gt3A_386 = arith.cmpf ogt, %mul3A_382, %scan3A_65#6 : vector<16xf32>
    %select_n3A_387 = arith.select %gt3A_386, %mul3A_382, %scan3A_65#6 : vector<16xi1>, vector<16xf32>
    %select_n3A_388 = arith.select %gt3A_386, %add3A_385, %scan3A_65#7 : vector<16xi1>, vector<16xi32>
    %gt3A_389 = arith.cmpf ogt, %select_n3A_221, %select_n3A : vector<16xf32>
    %eq3A = arith.cmpf oeq, %select_n3A_221, %select_n3A : vector<16xf32>
    %lt3A = arith.cmpi slt, %select_n3A_222, %select_n3A_139 : vector<16xi32>
    %and3A = arith.andi %eq3A, %lt3A : vector<16xi1>
    %or3A = arith.ori %gt3A_389, %and3A : vector<16xi1>
    %select_n3A_390 = arith.select %or3A, %select_n3A_221, %select_n3A : vector<16xi1>, vector<16xf32>
    %select_n3A_391 = arith.select %or3A, %select_n3A_222, %select_n3A_139 : vector<16xi1>, vector<16xi32>
    %gt3A_392 = arith.cmpf ogt, %select_n3A_304, %select_n3A_390 : vector<16xf32>
    %eq3A_393 = arith.cmpf oeq, %select_n3A_304, %select_n3A_390 : vector<16xf32>
    %lt3A_394 = arith.cmpi slt, %select_n3A_305, %select_n3A_391 : vector<16xi32>
    %and3A_395 = arith.andi %eq3A_393, %lt3A_394 : vector<16xi1>
    %or3A_396 = arith.ori %gt3A_392, %and3A_395 : vector<16xi1>
    %select_n3A_397 = arith.select %or3A_396, %select_n3A_304, %select_n3A_390 : vector<16xi1>, vector<16xf32>
    %select_n3A_398 = arith.select %or3A_396, %select_n3A_305, %select_n3A_391 : vector<16xi1>, vector<16xi32>
    %gt3A_399 = arith.cmpf ogt, %select_n3A_387, %select_n3A_397 : vector<16xf32>
    %eq3A_400 = arith.cmpf oeq, %select_n3A_387, %select_n3A_397 : vector<16xf32>
    %lt3A_401 = arith.cmpi slt, %select_n3A_388, %select_n3A_398 : vector<16xi32>
    %and3A_402 = arith.andi %eq3A_400, %lt3A_401 : vector<16xi1>
    %or3A_403 = arith.ori %gt3A_399, %and3A_402 : vector<16xi1>
    %select_n3A_404 = arith.select %or3A_403, %select_n3A_387, %select_n3A_397 : vector<16xi1>, vector<16xf32>
    %select_n3A_405 = arith.select %or3A_403, %select_n3A_388, %select_n3A_398 : vector<16xi1>, vector<16xi32>
    %gt3A_406 = arith.cmpf ogt, %scan3A_65#8, %select_n3A_404 : vector<16xf32>
    %eq3A_407 = arith.cmpf oeq, %scan3A_65#8, %select_n3A_404 : vector<16xf32>
    %lt3A_408 = arith.cmpi slt, %scan3A_65#9, %select_n3A_405 : vector<16xi32>
    %and3A_409 = arith.andi %eq3A_407, %lt3A_408 : vector<16xi1>
    %or3A_410 = arith.ori %gt3A_406, %and3A_409 : vector<16xi1>
    %select_n3A_411 = arith.select %or3A_410, %scan3A_65#8, %select_n3A_404 : vector<16xi1>, vector<16xf32>
    %select_n3A_412 = arith.select %or3A_410, %scan3A_65#9, %select_n3A_405 : vector<16xi1>, vector<16xi32>
    %gt3A_413 = arith.cmpf ogt, %scan3A_65#10, %select_n3A_411 : vector<16xf32>
    %eq3A_414 = arith.cmpf oeq, %scan3A_65#10, %select_n3A_411 : vector<16xf32>
    %lt3A_415 = arith.cmpi slt, %scan3A_65#11, %select_n3A_412 : vector<16xi32>
    %and3A_416 = arith.andi %eq3A_414, %lt3A_415 : vector<16xi1>
    %or3A_417 = arith.ori %gt3A_413, %and3A_416 : vector<16xi1>
    %select_n3A_418 = arith.select %or3A_417, %scan3A_65#10, %select_n3A_411 : vector<16xi1>, vector<16xf32>
    %select_n3A_419 = arith.select %or3A_417, %scan3A_65#11, %select_n3A_412 : vector<16xi1>, vector<16xi32>
    %swap3A = arith.constant 0 : index
    %swap3A_420 = tpu.vector_load %arg8[%swap3A] {strides = array<i32>} : memref<16xf32, #tpu.memory_space<vmem>>, vector<16xf32>,
    %swap3A_421 = vector.shape_cast %swap3A_420 : vector<16xf32> to vector<16xf32>
    %swap3A_422 = vector.shape_cast %select_n3A_418 : vector<16xf32> to vector<16xf32>
    tpu.vector_store %arg8[%swap3A], %swap3A_422 {strides = array<i32>} : memref<16xf32, #tpu.memory_space<vmem>>, vector<16xf32>,
    %swap3A_423 = arith.constant 0 : index
    %swap3A_424 = tpu.vector_load %arg9[%swap3A_423] {strides = array<i32>} : memref<16xi32, #tpu.memory_space<vmem>>, vector<16xi32>,
    %swap3A_425 = vector.shape_cast %swap3A_424 : vector<16xi32> to vector<16xi32>
    %swap3A_426 = vector.shape_cast %select_n3A_419 : vector<16xi32> to vector<16xi32>
    tpu.vector_store %arg9[%swap3A_423], %swap3A_426 {strides = array<i32>} : memref<16xi32, #tpu.memory_space<vmem>>, vector<16xi32>,
    %mul3A_427 = arith.constant 16 : i32
    %mul3A_428 = arith.muli %add3A, %mul3A_427 : i32
    %dma_start3A_429 = tpu.memref_slice %arg4[%mul3A_428] : memref<256xf32, #tpu.memory_space<hbm>> -> memref<16xf32, #tpu.memory_space<hbm>>
    %dma_start3A_430 = tpu.memref_slice %arg4[%mul3A_428] : memref<256xf32, #tpu.memory_space<hbm>> -> memref<16xf32, #tpu.memory_space<hbm>>
    tpu.enqueue_dma source(%arg8 : memref<16xf32, #tpu.memory_space<vmem>>) target(%dma_start3A_430 : memref<16xf32, #tpu.memory_space<hbm>>) target_semaphore(%arg10 : memref<!tpu.dma_semaphore, #tpu.memory_space<semaphore_mem>>)
    %mul3A_431 = arith.constant 16 : i32
    %mul3A_432 = arith.muli %add3A, %mul3A_431 : i32
    %dma_start3A_433 = tpu.memref_slice %arg5[%mul3A_432] : memref<256xi32, #tpu.memory_space<hbm>> -> memref<16xi32, #tpu.memory_space<hbm>>
    %dma_start3A_434 = tpu.memref_slice %arg5[%mul3A_432] : memref<256xi32, #tpu.memory_space<hbm>> -> memref<16xi32, #tpu.memory_space<hbm>>
    tpu.enqueue_dma source(%arg9 : memref<16xi32, #tpu.memory_space<vmem>>) target(%dma_start3A_434 : memref<16xi32, #tpu.memory_space<hbm>>) target_semaphore(%arg10 : memref<!tpu.dma_semaphore, #tpu.memory_space<semaphore_mem>>)
    %dma_wait3A_435 = tpu.memref_slice %arg4[%mul3A_428] : memref<256xf32, #tpu.memory_space<hbm>> -> memref<16xf32, #tpu.memory_space<hbm>>
    %dma_wait3A_436 = tpu.memref_slice %arg4[%mul3A_428] : memref<256xf32, #tpu.memory_space<hbm>> -> memref<16xf32, #tpu.memory_space<hbm>>
    tpu.wait_dma2 semaphore(%arg10 : memref<!tpu.dma_semaphore, #tpu.memory_space<semaphore_mem>>) src(%arg8 : memref<16xf32, #tpu.memory_space<vmem>>) dst(%dma_wait3A_436 : memref<16xf32, #tpu.memory_space<hbm>>)
    %dma_wait3A_437 = tpu.memref_slice %arg5[%mul3A_432] : memref<256xi32, #tpu.memory_space<hbm>> -> memref<16xi32, #tpu.memory_space<hbm>>
    %dma_wait3A_438 = tpu.memref_slice %arg5[%mul3A_432] : memref<256xi32, #tpu.memory_space<hbm>> -> memref<16xi32, #tpu.memory_space<hbm>>
    tpu.wait_dma2 semaphore(%arg10 : memref<!tpu.dma_semaphore, #tpu.memory_space<semaphore_mem>>) src(%arg9 : memref<16xi32, #tpu.memory_space<vmem>>) dst(%dma_wait3A_438 : memref<16xi32, #tpu.memory_space<hbm>>)
    return
  }
}

module attributes {stable_mosaic.version = 14 : i64} {
  func.func @_tc_body(%arg0: memref<1000000xf32, #tpu.memory_space<any>>, %arg1: memref<1000000xf32, #tpu.memory_space<any>>, %arg2: memref<2x128xf32, #tpu.memory_space<vmem>>, %arg3: memref<2x128xi32, #tpu.memory_space<vmem>>, %arg4: memref<1x1xi32, #tpu.memory_space<smem>>, %arg5: memref<55296xf32, #tpu.memory_space<vmem>>, %arg6: memref<55296xf32, #tpu.memory_space<vmem>>, %arg7: memref<55296xf32, #tpu.memory_space<vmem>>, %arg8: memref<55296xf32, #tpu.memory_space<vmem>>, %arg9: memref<55296xf32, #tpu.memory_space<vmem>>, %arg10: memref<55296xi32, #tpu.memory_space<vmem>>, %arg11: memref<!tpu.dma_semaphore, #tpu.memory_space<semaphore_mem>>, %arg12: memref<!tpu.dma_semaphore, #tpu.memory_space<semaphore_mem>>) attributes {dimension_semantics = [], scalar_prefetch = 0 : i64, scratch_operands = 8 : i64, tpu.core_type = #tpu.core_type<tc>} {
    %dma_start3A = arith.constant 0 : i32
    %dma_start3A_0 = tpu.memref_slice %arg0[%dma_start3A] : memref<1000000xf32, #tpu.memory_space<any>> -> memref<55296xf32, #tpu.memory_space<any>>
    tpu.enqueue_dma source(%dma_start3A_0 : memref<55296xf32, #tpu.memory_space<any>>) target(%arg5 : memref<55296xf32, #tpu.memory_space<vmem>>) target_semaphore(%arg11 : memref<!tpu.dma_semaphore, #tpu.memory_space<semaphore_mem>>)
    %dma_start3A_1 = arith.constant 0 : i32
    %dma_start3A_2 = tpu.memref_slice %arg1[%dma_start3A_1] : memref<1000000xf32, #tpu.memory_space<any>> -> memref<55296xf32, #tpu.memory_space<any>>
    tpu.enqueue_dma source(%dma_start3A_2 : memref<55296xf32, #tpu.memory_space<any>>) target(%arg6 : memref<55296xf32, #tpu.memory_space<vmem>>) target_semaphore(%arg11 : memref<!tpu.dma_semaphore, #tpu.memory_space<semaphore_mem>>)
    %scan3A = arith.constant 0 : i32
    %scan3A_3 = arith.constant 17 : i32
    %scan3A_4 = arith.addi %scan3A, %scan3A_3 : i32
    %scan3A_5 = arith.constant 1 : i32
    scf.for %scan3A_47 = %scan3A to %scan3A_4 step %scan3A_5  : i32 {
      %rem3A = arith.constant 2 : i32
      %rem3A_48 = arith.remsi %scan3A_47, %rem3A : i32
      %eq3A_49 = arith.constant 0 : i32
      %eq3A_50 = arith.cmpi eq, %rem3A_48, %eq3A_49 : i32
      %convert_element_type3A = arith.extui %eq3A_50 : i1 to i32
      %cond3A = arith.constant 0 : i32
      %cond3A_51 = arith.cmpi ne, %convert_element_type3A, %cond3A : i32
      scf.if %cond3A_51 {
        %add3A_59 = arith.constant 1 : i32
        %add3A_60 = arith.addi %scan3A_47, %add3A_59 : i32
        %lt3A_61 = arith.constant 17 : i32
        %lt3A_62 = arith.cmpi slt, %add3A_60, %lt3A_61 : i32
        %convert_element_type3A_63 = arith.extui %lt3A_62 : i1 to i32
        %cond3A_64 = arith.constant 0 : i32
        %cond3A_65 = arith.cmpi ne, %convert_element_type3A_63, %cond3A_64 : i32
        scf.if %cond3A_65 {
          %add3A_88 = arith.constant 1 : i32
          %add3A_89 = arith.addi %scan3A_47, %add3A_88 : i32
          %mul3A_90 = arith.constant 55296 : i32
          %mul3A_91 = arith.muli %add3A_89, %mul3A_90 : i32
          %mul3A_92 = arith.constant 55296 : i32
          %mul3A_93 = arith.muli %add3A_89, %mul3A_92 : i32
          %dma_start3A_94 = tpu.memref_slice %arg0[%mul3A_91] : memref<1000000xf32, #tpu.memory_space<any>> -> memref<55296xf32, #tpu.memory_space<any>>
          tpu.enqueue_dma source(%dma_start3A_94 : memref<55296xf32, #tpu.memory_space<any>>) target(%arg7 : memref<55296xf32, #tpu.memory_space<vmem>>) target_semaphore(%arg12 : memref<!tpu.dma_semaphore, #tpu.memory_space<semaphore_mem>>)
          %dma_start3A_95 = tpu.memref_slice %arg1[%mul3A_93] : memref<1000000xf32, #tpu.memory_space<any>> -> memref<55296xf32, #tpu.memory_space<any>>
          tpu.enqueue_dma source(%dma_start3A_95 : memref<55296xf32, #tpu.memory_space<any>>) target(%arg8 : memref<55296xf32, #tpu.memory_space<vmem>>) target_semaphore(%arg12 : memref<!tpu.dma_semaphore, #tpu.memory_space<semaphore_mem>>)
        } else {
        }
        %mul3A_66 = arith.constant 55296 : i32
        %mul3A_67 = arith.muli %scan3A_47, %mul3A_66 : i32
        %mul3A_68 = arith.constant 55296 : i32
        %mul3A_69 = arith.muli %scan3A_47, %mul3A_68 : i32
        %dma_wait3A = tpu.memref_slice %arg0[%mul3A_67] : memref<1000000xf32, #tpu.memory_space<any>> -> memref<55296xf32, #tpu.memory_space<any>>
        tpu.wait_dma2 semaphore(%arg11 : memref<!tpu.dma_semaphore, #tpu.memory_space<semaphore_mem>>) src(%dma_wait3A : memref<55296xf32, #tpu.memory_space<any>>) dst(%arg5 : memref<55296xf32, #tpu.memory_space<vmem>>)
        %dma_wait3A_70 = tpu.memref_slice %arg1[%mul3A_69] : memref<1000000xf32, #tpu.memory_space<any>> -> memref<55296xf32, #tpu.memory_space<any>>
        tpu.wait_dma2 semaphore(%arg11 : memref<!tpu.dma_semaphore, #tpu.memory_space<semaphore_mem>>) src(%dma_wait3A_70 : memref<55296xf32, #tpu.memory_space<any>>) dst(%arg6 : memref<55296xf32, #tpu.memory_space<vmem>>)
        %get3A_71 = arith.constant 0 : index
        %get3A_72 = vector.load %arg6[%get3A_71] : memref<55296xf32, #tpu.memory_space<vmem>>, vector<55296xf32>
        %log3A = math.log %get3A_72 : vector<55296xf32>
        %get3A_73 = arith.constant 0 : index
        %get3A_74 = vector.load %arg5[%get3A_73] : memref<55296xf32, #tpu.memory_space<vmem>>, vector<55296xf32>
        %neg3A = arith.constant 0.000000e+00 : f32
        %neg3A_75 = vector.broadcast %neg3A : f32 to vector<55296xf32>
        %neg3A_76 = arith.subf %neg3A_75, %get3A_74 : vector<55296xf32>
        %exp3A = math.exp %neg3A_76 : vector<55296xf32>
        %mul3A_77 = arith.mulf %log3A, %exp3A : vector<55296xf32>
        %eq3A_78 = arith.constant 0 : i32
        %eq3A_79 = arith.cmpi eq, %scan3A_47, %eq3A_78 : i32
        %convert_element_type3A_80 = arith.extui %eq3A_79 : i1 to i32
        %cond3A_81 = arith.constant 0 : i32
        %cond3A_82 = arith.cmpi ne, %convert_element_type3A_80, %cond3A_81 : i32
        scf.if %cond3A_82 {
          %swap3A_88 = arith.constant 0 : index
          %swap3A_89 = vector.load %arg9[%swap3A_88] : memref<55296xf32, #tpu.memory_space<vmem>>, vector<55296xf32>
          tpu.vector_store %arg9[%swap3A_88], %mul3A_77 {strides = array<i32>} : memref<55296xf32, #tpu.memory_space<vmem>>, vector<55296xf32>,
          %broadcast_in_dim3A_90 = arith.constant 0 : i32
          %broadcast_in_dim3A_91 = vector.broadcast %broadcast_in_dim3A_90 : i32 to vector<55296xi32>
          %swap3A_92 = arith.constant 0 : index
          %swap3A_93 = vector.load %arg10[%swap3A_92] : memref<55296xi32, #tpu.memory_space<vmem>>, vector<55296xi32>
          tpu.vector_store %arg10[%swap3A_92], %broadcast_in_dim3A_91 {strides = array<i32>} : memref<55296xi32, #tpu.memory_space<vmem>>, vector<55296xi32>,
        } else {
        }
        %gt3A_83 = arith.constant 0 : i32
        %gt3A_84 = arith.cmpi sgt, %scan3A_47, %gt3A_83 : i32
        %convert_element_type3A_85 = arith.extui %gt3A_84 : i1 to i32
        %cond3A_86 = arith.constant 0 : i32
        %cond3A_87 = arith.cmpi ne, %convert_element_type3A_85, %cond3A_86 : i32
        scf.if %cond3A_87 {
          %get3A_88 = arith.constant 0 : index
          %get3A_89 = vector.load %arg9[%get3A_88] : memref<55296xf32, #tpu.memory_space<vmem>>, vector<55296xf32>
          %gt3A_90 = arith.cmpf ogt, %mul3A_77, %get3A_89 : vector<55296xf32>
          %get3A_91 = arith.constant 0 : index
          %get3A_92 = vector.load %arg9[%get3A_91] : memref<55296xf32, #tpu.memory_space<vmem>>, vector<55296xf32>
          %select_n3A_93 = arith.select %gt3A_90, %mul3A_77, %get3A_92 : vector<55296xi1>, vector<55296xf32>
          %swap3A_94 = arith.constant 0 : index
          %swap3A_95 = vector.load %arg9[%swap3A_94] : memref<55296xf32, #tpu.memory_space<vmem>>, vector<55296xf32>
          tpu.vector_store %arg9[%swap3A_94], %select_n3A_93 {strides = array<i32>} : memref<55296xf32, #tpu.memory_space<vmem>>, vector<55296xf32>,
          %broadcast_in_dim3A_96 = vector.broadcast %scan3A_47 : i32 to vector<55296xi32>
          %get3A_97 = arith.constant 0 : index
          %get3A_98 = vector.load %arg10[%get3A_97] : memref<55296xi32, #tpu.memory_space<vmem>>, vector<55296xi32>
          %select_n3A_99 = arith.select %gt3A_90, %broadcast_in_dim3A_96, %get3A_98 : vector<55296xi1>, vector<55296xi32>
          %swap3A_100 = arith.constant 0 : index
          %swap3A_101 = vector.load %arg10[%swap3A_100] : memref<55296xi32, #tpu.memory_space<vmem>>, vector<55296xi32>
          tpu.vector_store %arg10[%swap3A_100], %select_n3A_99 {strides = array<i32>} : memref<55296xi32, #tpu.memory_space<vmem>>, vector<55296xi32>,
        } else {
        }
      } else {
      }
      %rem3A_52 = arith.constant 2 : i32
      %rem3A_53 = arith.remsi %scan3A_47, %rem3A_52 : i32
      %eq3A_54 = arith.constant 1 : i32
      %eq3A_55 = arith.cmpi eq, %rem3A_53, %eq3A_54 : i32
      %convert_element_type3A_56 = arith.extui %eq3A_55 : i1 to i32
      %cond3A_57 = arith.constant 0 : i32
      %cond3A_58 = arith.cmpi ne, %convert_element_type3A_56, %cond3A_57 : i32
      scf.if %cond3A_58 {
        %add3A_59 = arith.constant 1 : i32
        %add3A_60 = arith.addi %scan3A_47, %add3A_59 : i32
        %lt3A_61 = arith.constant 17 : i32
        %lt3A_62 = arith.cmpi slt, %add3A_60, %lt3A_61 : i32
        %convert_element_type3A_63 = arith.extui %lt3A_62 : i1 to i32
        %cond3A_64 = arith.constant 0 : i32
        %cond3A_65 = arith.cmpi ne, %convert_element_type3A_63, %cond3A_64 : i32
        scf.if %cond3A_65 {
          %add3A_88 = arith.constant 1 : i32
          %add3A_89 = arith.addi %scan3A_47, %add3A_88 : i32
          %mul3A_90 = arith.constant 55296 : i32
          %mul3A_91 = arith.muli %add3A_89, %mul3A_90 : i32
          %mul3A_92 = arith.constant 55296 : i32
          %mul3A_93 = arith.muli %add3A_89, %mul3A_92 : i32
          %dma_start3A_94 = tpu.memref_slice %arg0[%mul3A_91] : memref<1000000xf32, #tpu.memory_space<any>> -> memref<55296xf32, #tpu.memory_space<any>>
          tpu.enqueue_dma source(%dma_start3A_94 : memref<55296xf32, #tpu.memory_space<any>>) target(%arg5 : memref<55296xf32, #tpu.memory_space<vmem>>) target_semaphore(%arg11 : memref<!tpu.dma_semaphore, #tpu.memory_space<semaphore_mem>>)
          %dma_start3A_95 = tpu.memref_slice %arg1[%mul3A_93] : memref<1000000xf32, #tpu.memory_space<any>> -> memref<55296xf32, #tpu.memory_space<any>>
          tpu.enqueue_dma source(%dma_start3A_95 : memref<55296xf32, #tpu.memory_space<any>>) target(%arg6 : memref<55296xf32, #tpu.memory_space<vmem>>) target_semaphore(%arg11 : memref<!tpu.dma_semaphore, #tpu.memory_space<semaphore_mem>>)
        } else {
        }
        %mul3A_66 = arith.constant 55296 : i32
        %mul3A_67 = arith.muli %scan3A_47, %mul3A_66 : i32
        %mul3A_68 = arith.constant 55296 : i32
        %mul3A_69 = arith.muli %scan3A_47, %mul3A_68 : i32
        %dma_wait3A = tpu.memref_slice %arg0[%mul3A_67] : memref<1000000xf32, #tpu.memory_space<any>> -> memref<55296xf32, #tpu.memory_space<any>>
        tpu.wait_dma2 semaphore(%arg12 : memref<!tpu.dma_semaphore, #tpu.memory_space<semaphore_mem>>) src(%dma_wait3A : memref<55296xf32, #tpu.memory_space<any>>) dst(%arg7 : memref<55296xf32, #tpu.memory_space<vmem>>)
        %dma_wait3A_70 = tpu.memref_slice %arg1[%mul3A_69] : memref<1000000xf32, #tpu.memory_space<any>> -> memref<55296xf32, #tpu.memory_space<any>>
        tpu.wait_dma2 semaphore(%arg12 : memref<!tpu.dma_semaphore, #tpu.memory_space<semaphore_mem>>) src(%dma_wait3A_70 : memref<55296xf32, #tpu.memory_space<any>>) dst(%arg8 : memref<55296xf32, #tpu.memory_space<vmem>>)
        %get3A_71 = arith.constant 0 : index
        %get3A_72 = vector.load %arg8[%get3A_71] : memref<55296xf32, #tpu.memory_space<vmem>>, vector<55296xf32>
        %log3A = math.log %get3A_72 : vector<55296xf32>
        %get3A_73 = arith.constant 0 : index
        %get3A_74 = vector.load %arg7[%get3A_73] : memref<55296xf32, #tpu.memory_space<vmem>>, vector<55296xf32>
        %neg3A = arith.constant 0.000000e+00 : f32
        %neg3A_75 = vector.broadcast %neg3A : f32 to vector<55296xf32>
        %neg3A_76 = arith.subf %neg3A_75, %get3A_74 : vector<55296xf32>
        %exp3A = math.exp %neg3A_76 : vector<55296xf32>
        %mul3A_77 = arith.mulf %log3A, %exp3A : vector<55296xf32>
        %eq3A_78 = arith.constant 0 : i32
        %eq3A_79 = arith.cmpi eq, %scan3A_47, %eq3A_78 : i32
        %convert_element_type3A_80 = arith.extui %eq3A_79 : i1 to i32
        %cond3A_81 = arith.constant 0 : i32
        %cond3A_82 = arith.cmpi ne, %convert_element_type3A_80, %cond3A_81 : i32
        scf.if %cond3A_82 {
          %swap3A_88 = arith.constant 0 : index
          %swap3A_89 = vector.load %arg9[%swap3A_88] : memref<55296xf32, #tpu.memory_space<vmem>>, vector<55296xf32>
          tpu.vector_store %arg9[%swap3A_88], %mul3A_77 {strides = array<i32>} : memref<55296xf32, #tpu.memory_space<vmem>>, vector<55296xf32>,
          %broadcast_in_dim3A_90 = arith.constant 0 : i32
          %broadcast_in_dim3A_91 = vector.broadcast %broadcast_in_dim3A_90 : i32 to vector<55296xi32>
          %swap3A_92 = arith.constant 0 : index
          %swap3A_93 = vector.load %arg10[%swap3A_92] : memref<55296xi32, #tpu.memory_space<vmem>>, vector<55296xi32>
          tpu.vector_store %arg10[%swap3A_92], %broadcast_in_dim3A_91 {strides = array<i32>} : memref<55296xi32, #tpu.memory_space<vmem>>, vector<55296xi32>,
        } else {
        }
        %gt3A_83 = arith.constant 0 : i32
        %gt3A_84 = arith.cmpi sgt, %scan3A_47, %gt3A_83 : i32
        %convert_element_type3A_85 = arith.extui %gt3A_84 : i1 to i32
        %cond3A_86 = arith.constant 0 : i32
        %cond3A_87 = arith.cmpi ne, %convert_element_type3A_85, %cond3A_86 : i32
        scf.if %cond3A_87 {
          %get3A_88 = arith.constant 0 : index
          %get3A_89 = vector.load %arg9[%get3A_88] : memref<55296xf32, #tpu.memory_space<vmem>>, vector<55296xf32>
          %gt3A_90 = arith.cmpf ogt, %mul3A_77, %get3A_89 : vector<55296xf32>
          %get3A_91 = arith.constant 0 : index
          %get3A_92 = vector.load %arg9[%get3A_91] : memref<55296xf32, #tpu.memory_space<vmem>>, vector<55296xf32>
          %select_n3A_93 = arith.select %gt3A_90, %mul3A_77, %get3A_92 : vector<55296xi1>, vector<55296xf32>
          %swap3A_94 = arith.constant 0 : index
          %swap3A_95 = vector.load %arg9[%swap3A_94] : memref<55296xf32, #tpu.memory_space<vmem>>, vector<55296xf32>
          tpu.vector_store %arg9[%swap3A_94], %select_n3A_93 {strides = array<i32>} : memref<55296xf32, #tpu.memory_space<vmem>>, vector<55296xf32>,
          %broadcast_in_dim3A_96 = vector.broadcast %scan3A_47 : i32 to vector<55296xi32>
          %get3A_97 = arith.constant 0 : index
          %get3A_98 = vector.load %arg10[%get3A_97] : memref<55296xi32, #tpu.memory_space<vmem>>, vector<55296xi32>
          %select_n3A_99 = arith.select %gt3A_90, %broadcast_in_dim3A_96, %get3A_98 : vector<55296xi1>, vector<55296xi32>
          %swap3A_100 = arith.constant 0 : index
          %swap3A_101 = vector.load %arg10[%swap3A_100] : memref<55296xi32, #tpu.memory_space<vmem>>, vector<55296xi32>
          tpu.vector_store %arg10[%swap3A_100], %select_n3A_99 {strides = array<i32>} : memref<55296xi32, #tpu.memory_space<vmem>>, vector<55296xi32>,
        } else {
        }
      } else {
      }
    }
    %scan3A_6 = arith.constant 17 : i32
    %get3A = arith.constant 0 : index
    %get3A_7 = vector.load %arg9[%get3A] : memref<55296xf32, #tpu.memory_space<vmem>>, vector<55296xf32>
    %get3A_8 = arith.constant 0 : index
    %get3A_9 = vector.load %arg10[%get3A_8] : memref<55296xi32, #tpu.memory_space<vmem>>, vector<55296xi32>
    %iota3A = tpu.iota {dimensions = array<i32: 1>} : vector<1x55296xi32>
    %iota3A_10 = vector.shape_cast %iota3A : vector<1x55296xi32> to vector<55296xi32>
    %mul3A = arith.constant 55296 : i32
    %mul3A_11 = vector.broadcast %mul3A : i32 to vector<55296xi32>
    %mul3A_12 = arith.muli %get3A_9, %mul3A_11 : vector<55296xi32>
    %add3A = arith.addi %mul3A_12, %iota3A_10 : vector<55296xi32>
    %reduce_max3A = vector.shape_cast %get3A_7 : vector<55296xf32> to vector<1x55296xf32>
    %reduce_max3A_13 = arith.constant dense<0xFF800000> : vector<1xf32>
    %reduce_max3A_14 = vector.multi_reduction <maximumf>, %reduce_max3A, %reduce_max3A_13 [1] : vector<1x55296xf32> to vector<1xf32>
    %reduce_max3A_15 = vector.shape_cast %reduce_max3A_14 : vector<1xf32> to vector<1x1xf32>
    %reduce_max3A_16 = vector.extract %reduce_max3A_15[0, 0] : f32 from vector<1x1xf32>
    %eq3A = vector.broadcast %reduce_max3A_16 : f32 to vector<55296xf32>
    %eq3A_17 = arith.cmpf oeq, %get3A_7, %eq3A : vector<55296xf32>
    %jit3A = arith.constant 1073741824 : i32
    %broadcast_in_dim3A = vector.broadcast %jit3A : i32 to vector<55296xi32>
    %select_n3A = arith.select %eq3A_17, %add3A, %broadcast_in_dim3A : vector<55296xi1>, vector<55296xi32>
    %reduce_min3A = vector.shape_cast %select_n3A : vector<55296xi32> to vector<1x55296xi32>
    %reduce_min3A_18 = arith.constant dense<2147483647> : vector<1xi32>
    %reduce_min3A_19 = vector.multi_reduction <minsi>, %reduce_min3A, %reduce_min3A_18 [1] : vector<1x55296xi32> to vector<1xi32>
    %reduce_min3A_20 = vector.shape_cast %reduce_min3A_19 : vector<1xi32> to vector<1x1xi32>
    %reduce_min3A_21 = vector.extract %reduce_min3A_20[0, 0] : i32 from vector<1x1xi32>
    %get3A_22 = arith.constant 0 : index
    %get3A_23 = arith.constant 0 : index
    %get3A_24 = vector.load %arg2[%get3A_22, %get3A_23] : memref<2x128xf32, #tpu.memory_space<vmem>>, vector<2x128xf32>
    %get3A_25 = arith.constant 0 : index
    %get3A_26 = arith.constant 0 : index
    %get3A_27 = vector.load %arg3[%get3A_25, %get3A_26] : memref<2x128xi32, #tpu.memory_space<vmem>>, vector<2x128xi32>
    %reduce_max3A_28 = vector.shape_cast %get3A_24 : vector<2x128xf32> to vector<1x2x128xf32>
    %reduce_max3A_29 = arith.constant dense<0xFF800000> : vector<1xf32>
    %reduce_max3A_30 = vector.multi_reduction <maximumf>, %reduce_max3A_28, %reduce_max3A_29 [1, 2] : vector<1x2x128xf32> to vector<1xf32>
    %reduce_max3A_31 = vector.shape_cast %reduce_max3A_30 : vector<1xf32> to vector<1x1x1xf32>
    %reduce_max3A_32 = vector.extract %reduce_max3A_31[0, 0, 0] : f32 from vector<1x1x1xf32>
    %eq3A_33 = vector.broadcast %reduce_max3A_32 : f32 to vector<2x128xf32>
    %eq3A_34 = arith.cmpf oeq, %get3A_24, %eq3A_33 : vector<2x128xf32>
    %jit3A_35 = arith.constant 1073741824 : i32
    %broadcast_in_dim3A_36 = vector.broadcast %jit3A_35 : i32 to vector<2x128xi32>
    %select_n3A_37 = arith.select %eq3A_34, %get3A_27, %broadcast_in_dim3A_36 : vector<2x128xi1>, vector<2x128xi32>
    %reduce_min3A_38 = vector.shape_cast %select_n3A_37 : vector<2x128xi32> to vector<1x2x128xi32>
    %reduce_min3A_39 = arith.constant dense<2147483647> : vector<1xi32>
    %reduce_min3A_40 = vector.multi_reduction <minsi>, %reduce_min3A_38, %reduce_min3A_39 [1, 2] : vector<1x2x128xi32> to vector<1xi32>
    %reduce_min3A_41 = vector.shape_cast %reduce_min3A_40 : vector<1xi32> to vector<1x1x1xi32>
    %reduce_min3A_42 = vector.extract %reduce_min3A_41[0, 0, 0] : i32 from vector<1x1x1xi32>
    %gt3A = arith.cmpf ogt, %reduce_max3A_32, %reduce_max3A_16 : f32
    %eq3A_43 = arith.cmpf oeq, %reduce_max3A_32, %reduce_max3A_16 : f32
    %lt3A = arith.cmpi slt, %reduce_min3A_42, %reduce_min3A_21 : i32
    %and3A = arith.andi %eq3A_43, %lt3A : i1
    %or3A = arith.ori %gt3A, %and3A : i1
    %select_n3A_44 = arith.select %or3A, %reduce_min3A_42, %reduce_min3A_21 : i32
    %swap3A = arith.constant 0 : index
    %swap3A_45 = arith.constant 0 : index
    %swap3A_46 = memref.load %arg4[%swap3A, %swap3A_45] : memref<1x1xi32, #tpu.memory_space<smem>>
    memref.store %select_n3A_44, %arg4[%swap3A, %swap3A_45] : memref<1x1xi32, #tpu.memory_space<smem>>
    return
  }
}

</mosaic_0001>

<sc_bundles>
// kernel: kernel.4.cloned.1.call-start
scs
__scs_entry_jumppad:
0x0: {  	(pc) =	sbr.rel $0x88, $3  }
0x1: {  	(tag) =	ssettag $0x0;
	lr =	simm.s32 $0x1  }
0x2: {  	[smem:$0x3F9F] =	sst lr;
	_ =	strace $0xD0000000  }
0x3: {  	_ = 	snop  }
0x4: {  	_ = 	snop  }
0x5: {  	_ = 	snop  }
0x6: {  	_ = 	snop  }
0x7: {  	_ = 	snop  }
__scs_overlays_trampoline_lowered:
0x8: {  	[smem:$0x3FAE] =	sst s0  }
0x9: {  	[smem:$0x3FAF] =	sst s1  }
0xa: {  	[smem:$0x3FB0] =	sst s2  }
0xb: {  	[smem:$0x3FB1] =	sst s3  }
0xc: {  	[smem:$0x3FB2] =	sst s4  }
0xd: {  	[smem:$0x3FB3] =	sst s5  }
0xe: {  	[smem:$0x3FB4] =	sst s6  }
0xf: {  	[smem:$0x3FB5] =	sst s7  }
0x10: {  	[smem:$0x3FB6] =	sst s8  }
0x11: {  	[smem:$0x3FB7] =	sst s9;
	s0 =	simm.s32 @!p0 $0x0  }
0x12: {  	s1 =	sld [smem:$0x3F9D];
	s0 =	simm.s32 @p0 $0x1  }
0x13: {  	[smem:$0x3FB8] =	sst s0;
	s0 =	simm.s32 @!p1 $0x0  }
0x14: {  	s2 =	sld [smem:$0x3F9C];
	s0 =	simm.s32 @p1 $0x1  }
0x15: {  	[smem:$0x3FB9] =	sst s0;
	s0 =	simm.s32 @!p2 $0x0  }
0x16: {  	s3 =	sld [smem:$0x3FDB];
	s0 =	simm.s32 @p2 $0x1  }
0x17: {  	s4 =	simm.s32 $0x1BF5;
	[smem:$0x3FBB] =	sst s0  }
0x18: {  	s0 =	sld [smem:$0x3F9E];
	_ =	swait.ge [sflag:s4], $0x0  }
0x19: {  	s7 =	sld [smem:$0x3F9F]  }
0x1a: {  	s8 =	sadd.s32 $0xFFFFE003, lr  }
0x1b: {  	s9 =	sadd.s32 $0xFFFFFEF7, lr;
	s5 =	simm.s32 $0xFFFFFFFF;
	p2 =	slt.u32 s8, $0xFFFFF086  }
0x1c: {  	p1 =	slt.u32 s9, $0xF7A;
	s5 =	simm.s32 @!p2 $0x0  }
0x1d: {  	s5 =	simm.s32 @p1 $0x1;
	p0 =	seq.s32 s7, s2  }
0x1e: {  	s7 =	smul.u32 @!p0 $0xF7A, s2;
	p2 =	seq.s32 @!p0 s5, $0x0  }
0x1f: {  	s9 =	smul.u32 $0xF7A, s1;
	s8 =	simm.s32 @!p0 $0x1BF5;
	p2 =	por !p2, p0  }
0x20: {  	[sflag:s8] =	ssyncset.s32 @!p0 $0xFFFFF086;
	s6 =	sadd.s32 @!p0 s3, s7;
	s7 =	simm.s32 @!p0 $0x108  }
0x21: {  	s3 =	sadd.s32 s3, s9;
	s6 =	sadd.s32 @!p0 $0x88, s6;
	s7 =	simm.s32 @p2 $0x1082  }
0x22: {  	[simem:s7], [sflag:s8] =	dma.local @!p0 [hbm:s6], $0xF7A  }
0x23: {  	s9 =	sor.u32 $0xD0000000, s2;
	s6 =	simm.s32 $0x108;
	_ =	swait.ge @!p0 [sflag:s8], $0x0  }
0x24: {  	s3 =	sadd.s32 $0x88, s3;
	s6 =	simm.s32 @!p1 $0x1082;
	[sflag:s4] =	ssyncset.s32 $0xFFFFF086  }
0x25: {  	[simem:s6], [sflag:s4] =	dma.local [hbm:s3], $0xF7A  }
0x26: {  	[smem:$0x3F9F] =	sst s1;
	(tag) =	ssettag s2;
	_ =	strace s9  }
0x27: {  	s1 =	sld [smem:$0x3FAF]  }
0x28: {  	s2 =	sld [smem:$0x3FB0]  }
0x29: {  	s4 =	sld [smem:$0x3FB2]  }
0x2a: {  	p0 =	seq.s32 s5, $0x0;
	s5 =	sld [smem:$0x3FB3]  }
0x2b: {  	s6 =	sld [smem:$0x3FB4]  }
0x2c: {  	s7 =	sld [smem:$0x3FB5]  }
0x2d: {  	s3 =	simm.s32 $0x108;
	s8 =	sld [smem:$0x3FB6]  }
0x2e: {  	s3 =	simm.s32 @!p0 $0x1082;
	s9 =	sld [smem:$0x3FB7]  }
0x2f: {  	lr =	sadd.s32 s0, s3;
	s0 =	sld [smem:$0x3FAE]  }
0x30: {  	s3 =	sld [smem:$0x3FB1]  }
0x31: {  	[smem:$0x3FBA] =	sst s10  }
0x32: {  	s10 =	sld [smem:$0x3FB8];
	_ =	sdelay $0x3  }
0x33: {  	p0 =	seq.s32 s10, $0x1;
	s10 =	sld [smem:$0x3FBA];
	_ =	sdelay $0x3  }
0x34: {  	[smem:$0x3FBA] =	sst s10  }
0x35: {  	s10 =	sld [smem:$0x3FB9];
	_ =	sdelay $0x3  }
0x36: {  	p1 =	seq.s32 s10, $0x1;
	s10 =	sld [smem:$0x3FBA];
	_ =	sdelay $0x3  }
0x37: {  	[smem:$0x3FBA] =	sst s10  }
0x38: {  	s10 =	sld [smem:$0x3FBB]  }
0x39: {  	_ = 	snop;
	(pc) =	sbr.ind lr, $3  }
0x3a: {  	_ = 	snop  }
0x3b: {  	_ = 	snop  }
0x3c: {  	p2 =	seq.s32 s10, $0x1;
	s10 =	sld [smem:$0x3FBA]  }
0x3d: {  	_ =	shalt  }
0x3e: {  	_ =	shalt  }
0x3f: {  	_ =	shalt  }
0x40: {  	_ =	shalt  }
0x41: {  	_ =	shalt  }
0x42: {  	_ =	shalt  }
0x43: {  	_ =	shalt  }
0x44: {  	_ =	shalt  }
0x45: {  	_ =	shalt  }
0x46: {  	_ =	shalt  }
0x47: {  	_ =	shalt  }
0x48: {  	_ =	shalt  }
0x49: {  	_ =	shalt  }
0x4a: {  	_ =	shalt  }
0x4b: {  	_ =	shalt  }
0x4c: {  	_ =	shalt  }
0x4d: {  	_ =	shalt  }
0x4e: {  	_ =	shalt  }
0x4f: {  	_ =	shalt  }
0x50: {  	_ =	shalt  }
0x51: {  	_ =	shalt  }
0x52: {  	_ =	shalt  }
0x53: {  	_ =	shalt  }
0x54: {  	_ =	shalt  }
0x55: {  	_ =	shalt  }
0x56: {  	_ =	shalt  }
0x57: {  	_ =	shalt  }
0x58: {  	_ =	shalt  }
0x59: {  	_ =	shalt  }
0x5a: {  	_ =	shalt  }
0x5b: {  	_ =	shalt  }
0x5c: {  	_ =	shalt  }
0x5d: {  	_ =	shalt  }
0x5e: {  	_ =	shalt  }
0x5f: {  	_ =	shalt  }
0x60: {  	_ =	shalt  }
0x61: {  	_ =	shalt  }
0x62: {  	_ =	shalt  }
0x63: {  	_ =	shalt  }
0x64: {  	_ =	shalt  }
0x65: {  	_ =	shalt  }
0x66: {  	_ =	shalt  }
0x67: {  	_ =	shalt  }
0x68: {  	_ =	shalt  }
0x69: {  	_ =	shalt  }
0x6a: {  	_ =	shalt  }
0x6b: {  	_ =	shalt  }
0x6c: {  	_ =	shalt  }
0x6d: {  	_ =	shalt  }
0x6e: {  	_ =	shalt  }
0x6f: {  	_ =	shalt  }
0x70: {  	_ =	shalt  }
0x71: {  	_ =	shalt  }
0x72: {  	_ =	shalt  }
0x73: {  	_ =	shalt  }
0x74: {  	_ =	shalt  }
0x75: {  	_ =	shalt  }
0x76: {  	_ =	shalt  }
0x77: {  	_ =	shalt  }
0x78: {  	_ =	shalt  }
0x79: {  	_ =	shalt  }
0x7a: {  	_ =	shalt  }
0x7b: {  	_ =	shalt  }
0x7c: {  	_ =	shalt  }
0x7d: {  	_ =	shalt  }
0x7e: {  	_ =	shalt  }
0x7f: {  	_ =	shalt  }
0x80: {  	_ =	shalt  }
0x81: {  	_ =	shalt  }
0x82: {  	_ =	shalt  }
0x83: {  	_ =	shalt  }
0x84: {  	_ =	shalt  }
0x85: {  	_ =	shalt  }
0x86: {  	_ =	shalt  }
0x87: {  	_ =	shalt  }
.Lfunc_end0:
.L_simem_size_0:
called_computation_lowered:
.L_overlay_start_0:
0x88: {  	s0 =	sld [smem:$0x3FD9]  }
0x89: {  	s1 =	sld [smem:$0x3FFE];
	_ =	sdelay $0x3  }
0x8a: {  	s0 =	sadd.s32 s1, s0  }
0x8b: {  	[smem:$0x3FC6] =	sst s0  }
0x8c: {  	_ = 	snop  }
0x8d: {  	s0 =	sld [smem:$0x3FC9]  }
0x8e: {  	s16 =	sld [smem:$0x3FC8];
	(tm) =	ssettm $0x1  }
0x8f: {  	s2 =	sld [smem:$0x3FFB];
	_ =	sdelay $0x3  }
0x90: {  	_ =	strace s2  }
0x91: {  	s2 =	sld [smem:$0x3FFC];
	_ =	sdelay $0x3  }
0x92: {  	_ =	strace s2  }
0x93: {  	s2 =	sld [smem:$0x3FFD];
	_ =	sdelay $0x3  }
0x94: {  	_ =	strace s2  }
0x95: {  	_ =	strace $0x8FFFFFFF  }
0x96: {  	s17 =	sld [smem:$0x3FDB];
	_ =	sdelay $0x1  }
0x97: {  	s3 =	simm.s32 $_scs_section_size  }
0x98: {  	s4 =	simm.s32 $_size__tile_overlayer_lowered;
	s5 =	simm.s32 $_tile_overlayer_lowered  }
0x99: {  	s20 =	simm.s32 $0x1BFF;
	s19 =	sshll.u32 s5, $0x1;
	s2 =	sadd.s32 s3, s17  }
0x9a: {  	s6 =	simm.s32 $0x0;
	s18 =	sshll.u32 s4, $0x1;
	s4 =	sadd.s32 s19, s2  }
0x9b: {  	[timem:s6], [sflag:s20] =	dma.local [hbm:s4], s18  }
0x9c: {  	_ =	swait.ge [sflag:s20], s18  }
0x9d: {  	s3 =	ssub.s32 $0x0, s18;
	[sflag:s20] =	ssyncset.done $0x0  }
0x9e: {  	[sflag:s20] =	ssyncadd.s32 s3;
	_ =	sdelay $0x1  }
0x9f: {  	s21 =	simm.s32 $0x1B8B  }
0xa0: {  	_ =	swait.ge [sflag:s21], $0x1  }
0xa1: {  	[sflag:s21] =	ssyncset.done $0x0  }
0xa2: {  	s23 =	simm.s32 $0x1B8E;
	s22 =	sld [smem:$0x3FFE];
	[sflag:s21] =	ssyncadd.s32 $0xFFFFFFFF  }
0xa3: {  	s24 =	simm.s32 $execute0_lowered;
	[smem:$0x3FD2] =	sst s23  }
0xa4: {  	s4 =	sshll.u32 s24, $0x1;
	_ =	strace $0x80000046;
	[dreg:$0x1] =	wrdreg $0xFFFFFFFF  }
0xa5: {  	s25 =	simm.s32 $_size_execute0_lowered;
	s2 =	sadd.s32 s2, s4;
	[dreg:$0x0] =	wrdreg $0x0  }
0xa6: {  	s4 =	sshll.u32 s25, $0x1;
	[dreg:$0x2] =	wrdreg s2  }
0xa7: {  	[dreg:$0x3] =	wrdreg s4  }
0xa8: {  	[dreg:$0x4] =	wrdreg $0xC0  }
0xa9: {  	_ =	task [dreg:s6], $0x5FFFF  }
0xaa: {  	[dreg:$0x1] =	wrdreg $0xFFFFFFFF  }
0xab: {  	[dreg:$0x0] =	wrdreg $0x60  }
0xac: {  	[dreg:$0x2] =	wrdreg s0  }
0xad: {  	[dreg:$0x3] =	wrdreg s16  }
0xae: {  	[dreg:$0x4] =	wrdreg s22  }
0xaf: {  	[dreg:$0x5] =	wrdreg $0x9  }
0xb0: {  	_ =	task.clear_ibuf [dreg:s6], $0x6FFFF;
	_ =	strace $0x90000046  }
0xb1: {  	s26 =	simm.s32 $0x9;
	_ =	strace $0x80000048  }
0xb2: {  	_ =	swait.ge [sflag:s26], $0x1  }
0xb3: {  	[sflag:s26] =	ssyncadd.s32 $0xFFFFFFFF  }
0xb4: {  	_ =	strace $0x90000048  }
0xb5: {  	_ =	sfence  }
0xb6: {  	s28 =	sld [smem:$0x0];
	_ =	sdelay $0x1  }
0xb7: {  	s29 =	srdreg.scid  }
0xb8: {  	s30 =	sshll.u32 s29, $0xD;
	s31 =	sshrl.u32 s29, $0x2  }
0xb9: {  	s1 =	sand.u32 $0x1, s29;
	s2 =	sand.u32 $0x4000, s30;
	s0 =	sadd.s32 s31, s28  }
0xba: {  	s1 =	sor.u32 s2, s1;
	s0 =	sshll.u32 s0, $0x11  }
0xbb: {  	s0 =	sor.u32 s0, s1  }
0xbc: {  	s0 =	sadd.s32 $0x8F2B, s0  }
0xbd: {  	[sflag:s0] =	ssyncadd.remote.s32 $0x1  }
0xbe: {  	_ =	sfence.sel $0xFFFF  }
0xbf: {  	[dreg:$0x0] =	wrdreg $0xFFFFFFFF;
	(pc) =	sbr.abs _section_cstart, $3  }
0xc0: {  	[dreg:$0x1] =	wrdreg $0xFFFFFFFF  }
0xc1: {  	_ =	task.clear_ibuf [dreg:s6], $0x2FFFF;
	_ =	strace $0x9FFFFFFF  }
0xc2: {  	(tm) =	ssettm $0x7FFFFFFF  }
0xc3: {  	_ =	shalt  }
tec
execute0_lowered:
.L_overlay_start_1:
0x0: {  	(tag) =	ssettag $0x1  }
0x1: {  	s0 =	stileid.u32  }
0x2: {  	s3 =	rddreg [dreg:$0x0];
	s4 =	smul.u32 $0xEA0, s0  }
0x3: {  	s5 =	rddreg [dreg:$0x1]  }
0x4: {  	s2 =	rddreg [dreg:$0x2];
	s6 =	simm.s32 $0x0;
	s7 =	sshrl.u32 s4, $0x3  }
0x5: {  	[smem:$0x7FF] =	sst s6;
	s7 =	sadd.s32 $0x1CB00, s7  }
0x6: {  	s1 =	rddreg [dreg:$0x3];
	_ =	strace $0x80000047;
	s8 =	sadd.s32 s5, s7  }
0x7: {  	[tilespmem:s6], [sflag:$0x1] =	stream.linear.gather [hbm4b:s8+s6], $0xEA0, $0x38;
	[tilespmem:$0x1F00] =	vst v63  }
0x8: {  	s19 =	simm.s32 $0xF00;
	s7 =	sadd.s32 s3, s7  }
0x9: {  	[tilespmem:s19], [sflag:$0x1] =	stream.linear.gather [hbm4b:s7+s6], $0xEA0, $0x38;
	[tilespmem:$0x1F00] =	vst v63  }
0xa: {  	s20 =	simm.s32 $0xEA0;
	s5 =	sadd.s32 $0x1E840, s5  }
0xb: {  	[tilespmem:s20], [sflag:$0x1] =	stream.linear.gather [hbm4b:s5+s6], $0x40, $0x38;
	[tilespmem:$0x1F00] =	vst v63  }
0xc: {  	s21 =	simm.s32 $0x1DA0;
	s22 =	simm.s32 $0x1;
	s3 =	sadd.s32 $0x1E840, s3  }
0xd: {  	[tilespmem:s21], [sflag:$0x1] =	stream.linear.gather [hbm4b:s3+s6], $0x40, $0x38;
	[tilespmem:$0x1F00] =	vst v63  }
0xe: {  	_ =	swait.ge [sflag:s22], $0xEA0  }
0xf: {  	[sflag:s22] =	ssyncset.done $0x0  }
0x10: {  	[sflag:s22] =	ssyncadd.s32 $0xFFFFF160  }
0x11: {  	_ =	swait.ge [sflag:s22], $0xEA0  }
0x12: {  	[sflag:s22] =	ssyncset.done $0x0  }
0x13: {  	[sflag:s22] =	ssyncadd.s32 $0xFFFFF160  }
0x14: {  	_ =	swait.ge [sflag:s22], $0x40  }
0x15: {  	[sflag:s22] =	ssyncset.done $0x0  }
0x16: {  	[sflag:s22] =	ssyncadd.s32 $0xFFFFFFC0  }
0x17: {  	_ =	swait.ge [sflag:s22], $0x40  }
0x18: {  	[sflag:s22] =	ssyncset.done $0x0  }
0x19: {  	s23 =	simm.s32 $0xF30;
	[sflag:s22] =	ssyncadd.s32 $0xFFFFFFC0  }
0x1a: {  	v0 =	vld [tilespmem:s23+$0xFFFFFFD0]  }
0x1b: {  	v1 =	vld [tilespmem:s23+$0xFFFFFFE0]  }
0x1c: {  	v2 =	vld [tilespmem:s23+$0xFFFFFFF0]  }
0x1d: {  	v3 =	vld [tilespmem:s23+$0x0]  }
0x1e: {  	v4 =	vld [tilespmem:s23+$0x10]  }
0x1f: {  	s24 =	simm.s32 $0x30;
	v5 =	vld [tilespmem:s23+$0x20]  }
0x20: {  	v9 =	vld [tilespmem:s24+$0xFFFFFFD0]  }
0x21: {  	v10 =	vld [tilespmem:s24+$0xFFFFFFE0]  }
0x22: {  	v11 =	vld [tilespmem:s24+$0xFFFFFFF0]  }
0x23: {  	v12 =	vld [tilespmem:s24+$0x0]  }
0x24: {  	v13 =	vld [tilespmem:s24+$0x10]  }
0x25: {  	v14 =	vld [tilespmem:s24+$0x20];
	v0 =	vsub.f32 $0.0e+00, v0  }
0x26: {  	v1 =	vsub.f32 $0.0e+00, v1;
	v2 =	vsub.f32 $0.0e+00, v2  }
0x27: {  	v3 =	vsub.f32 $0.0e+00, v3;
	v15 =	vsub.f32 $0.0e+00, v4  }
0x28: {  	v4 =	vadd.s32 $0xC0CAFB0D, v9;
	v6 =	vadd.s32 $0xC0CAFB0D, v10;
	v16 =	vsub.f32 $0.0e+00, v5  }
0x29: {  	v5 =	vadd.s32 $0xC0CAFB0D, v11;
	v17 =	vadd.s32 $0xC0CAFB0D, v12;
	v18 =	vadd.s32 $0xC0CAFB0D, v13  }
0x2a: {  	v19 =	vadd.s32 $0xC0CAFB0D, v14;
	v7 =	vshra.s32 v4, $0x17;
	v8 =	vshra.s32 v6, $0x17  }
0x2b: {  	v20 =	vshra.s32 v5, $0x17;
	v21 =	vshra.s32 v17, $0x17;
	v22 =	vshra.s32 v18, $0x17  }
0x2c: {  	v23 =	vand.u32 $0xFF800000, v4;
	v24 =	vshra.s32 v19, $0x17;
	v7 =	vcvt.s32.f32 v7  }
0x2d: {  	v25 =	vand.u32 $0xFF800000, v6;
	v0 =	vmul.f32 $1.442695020e+00, v0;
	v8 =	vcvt.s32.f32 v8  }
0x2e: {  	v26 =	vand.u32 $0xFF800000, v5;
	v1 =	vmul.f32 $1.442695020e+00, v1;
	v6 =	vcvt.s32.f32 v20  }
0x2f: {  	v17 =	vand.u32 $0xFF800000, v17;
	v20 =	vmul.f32 $1.442695020e+00, v2;
	v5 =	vcvt.s32.f32 v21  }
0x30: {  	v18 =	vand.u32 $0xFF800000, v18;
	v3 =	vmul.f32 $1.442695020e+00, v3;
	v4 =	vcvt.s32.f32 v22  }
0x31: {  	v21 =	vmul.f32 $1.442695020e+00, v15;
	v15 =	vand.u32 $0xFF800000, v19;
	v2 =	vcvt.s32.f32 v24  }
0x32: {  	v9 =	vsub.s32 v9, v23;
	v19 =	vsub.s32 v10, v25;
	v22 =	vmul.f32 $1.442695020e+00, v16  }
0x33: {  	v11 =	vsub.s32 v11, v26;
	v12 =	vsub.s32 v12, v17;
	v13 =	vsub.s32 v13, v18  }
0x34: {  	v14 =	vsub.s32 v14, v15;
	v16 =	vmul.f32 $2.121944420e-04, v7;
	(erf) = vpow2.f32 v0  }
0x35: {  	v10 =	vadd.f32 $-1.000000000e+00, v9;
	v17 =	vmul.f32 $2.121944420e-04, v8;
	v18 =	vmul.f32 $2.121944420e-04, v6  }
0x36: {  	v9 =	vadd.f32 $-1.000000000e+00, v19;
	v19 =	vmul.f32 $2.121944420e-04, v5;
	v7 =	vmul.f32 $6.933593750e-01, v7  }
0x37: {  	v11 =	vadd.f32 $-1.000000000e+00, v11;
	v8 =	vmul.f32 $6.933593750e-01, v8;
	v6 =	vmul.f32 $6.933593750e-01, v6  }
0x38: {  	v15 =	vadd.f32 $-1.000000000e+00, v12;
	v5 =	vmul.f32 $6.933593750e-01, v5;
	(erf) = vpow2.f32 v1  }
0x39: {  	v13 =	vadd.f32 $-1.000000000e+00, v13;
	v25 =	vmul.f32 v10, v10;
	v26 =	vmul.f32 v9, v9  }
0x3a: {  	v27 =	vmul.f32 v11, v11;
	v24 =	vmul.f32 v15, v15  }
0x3b: {  	v23 =	vmul.f32 v13, v13;
	v28 =	vmul.f32 $7.037683580e-02, v10  }
0x3c: {  	v29 =	vmul.f32 $7.037683580e-02, v9;
	v30 =	vmul.f32 $7.037683580e-02, v11  }
0x3d: {  	v14 =	vadd.f32 $-1.000000000e+00, v14;
	v31 =	vmul.f32 $7.037683580e-02, v15;
	v32 =	vmul.f32 $7.037683580e-02, v13  }
0x3e: {  	v12 =	vimm.s32 $0x40000000;
	(erf) = vpow2.f32 v20;
	v20 =	vmul.f32 $2.121944420e-04, v4  }
0x3f: {  	v33 =	vmul.f32 $7.037683580e-02, v14;
	(erf) = vpow2.f32 v3;
	v28 =	vadd.f32 $-1.151461010e-01, v28  }
0x40: {  	v34 =	vmul.f32 $5.000000000e-01, v25;
	v35 =	vmul.f32 $5.000000000e-01, v26;
	v29 =	vadd.f32 $-1.151461010e-01, v29  }
0x41: {  	v30 =	vadd.f32 $-1.151461010e-01, v30;
	v36 =	vmul.f32 $5.000000000e-01, v27;
	(erf) = vpow2.f32 v21  }
0x42: {  	v31 =	vadd.f32 $-1.151461010e-01, v31;
	v21 =	vmul.f32 $2.121944420e-04, v2;
	(erf) = vpow2.f32 v22  }
0x43: {  	v32 =	vadd.f32 $-1.151461010e-01, v32;
	v22 =	vmul.f32 v14, v14;
	v28 =	vmul.f32 v28, v10  }
0x44: {  	v33 =	vadd.f32 $-1.151461010e-01, v33;
	v29 =	vmul.f32 v29, v9;
	v30 =	vmul.f32 v30, v11  }
0x45: {  	v31 =	vmul.f32 v31, v15;
	v32 =	vmul.f32 v32, v13;
	v28 =	vadd.f32 $1.167699840e-01, v28  }
0x46: {  	v33 =	vmul.f32 v33, v14;
	v29 =	vadd.f32 $1.167699840e-01, v29;
	v30 =	vadd.f32 $1.167699840e-01, v30  }
0x47: {  	v31 =	vadd.f32 $1.167699840e-01, v31;
	v32 =	vadd.f32 $1.167699840e-01, v32;
	v28 =	vmul.f32 v28, v10  }
0x48: {  	v33 =	vadd.f32 $1.167699840e-01, v33;
	v29 =	vmul.f32 v29, v9;
	v30 =	vmul.f32 v30, v11  }
0x49: {  	v31 =	vmul.f32 v31, v15;
	v32 =	vmul.f32 v32, v13;
	v28 =	vadd.f32 $-1.242014100e-01, v28  }
0x4a: {  	v33 =	vmul.f32 v33, v14;
	v29 =	vadd.f32 $-1.242014100e-01, v29;
	v30 =	vadd.f32 $-1.242014100e-01, v30  }
0x4b: {  	v31 =	vadd.f32 $-1.242014100e-01, v31;
	v32 =	vadd.f32 $-1.242014100e-01, v32;
	v28 =	vmul.f32 v28, v10  }
0x4c: {  	v33 =	vadd.f32 $-1.242014100e-01, v33;
	v29 =	vmul.f32 v29, v9;
	v30 =	vmul.f32 v30, v11  }
0x4d: {  	v31 =	vmul.f32 v31, v15;
	v32 =	vmul.f32 v32, v13;
	v28 =	vadd.f32 $1.424932330e-01, v28  }
0x4e: {  	v33 =	vmul.f32 v33, v14;
	v29 =	vadd.f32 $1.424932330e-01, v29;
	v30 =	vadd.f32 $1.424932330e-01, v30  }
0x4f: {  	v31 =	vadd.f32 $1.424932330e-01, v31;
	v32 =	vadd.f32 $1.424932330e-01, v32;
	v28 =	vmul.f32 v28, v10  }
0x50: {  	v33 =	vadd.f32 $1.424932330e-01, v33;
	v29 =	vmul.f32 v29, v9;
	v30 =	vmul.f32 v30, v11  }
0x51: {  	v31 =	vmul.f32 v31, v15;
	v32 =	vmul.f32 v32, v13;
	v28 =	vadd.f32 $-1.666805740e-01, v28  }
0x52: {  	v33 =	vmul.f32 v33, v14;
	v29 =	vadd.f32 $-1.666805740e-01, v29;
	v30 =	vadd.f32 $-1.666805740e-01, v30  }
0x53: {  	v31 =	vadd.f32 $-1.666805740e-01, v31;
	v32 =	vadd.f32 $-1.666805740e-01, v32;
	v28 =	vmul.f32 v28, v10  }
0x54: {  	v33 =	vadd.f32 $-1.666805740e-01, v33;
	v29 =	vmul.f32 v29, v9;
	v30 =	vmul.f32 v30, v11  }
0x55: {  	v31 =	vmul.f32 v31, v15;
	v32 =	vmul.f32 v32, v13;
	v28 =	vadd.f32 $2.000071410e-01, v28  }
0x56: {  	v33 =	vmul.f32 v33, v14;
	v29 =	vadd.f32 $2.000071410e-01, v29;
	v30 =	vadd.f32 $2.000071410e-01, v30  }
0x57: {  	v31 =	vadd.f32 $2.000071410e-01, v31;
	v32 =	vadd.f32 $2.000071410e-01, v32;
	v28 =	vmul.f32 v28, v10  }
0x58: {  	v33 =	vadd.f32 $2.000071410e-01, v33;
	v29 =	vmul.f32 v29, v9;
	v30 =	vmul.f32 v30, v11  }
0x59: {  	v31 =	vmul.f32 v31, v15;
	v32 =	vmul.f32 v32, v13;
	v28 =	vadd.f32 $-2.499999400e-01, v28  }
0x5a: {  	v33 =	vmul.f32 v33, v14;
	v29 =	vadd.f32 $-2.499999400e-01, v29;
	v30 =	vadd.f32 $-2.499999400e-01, v30  }
0x5b: {  	v31 =	vadd.f32 $-2.499999400e-01, v31;
	v32 =	vadd.f32 $-2.499999400e-01, v32;
	v28 =	vmul.f32 v28, v10  }
0x5c: {  	v33 =	vadd.f32 $-2.499999400e-01, v33;
	v29 =	vmul.f32 v29, v9;
	v30 =	vmul.f32 v30, v11  }
0x5d: {  	v31 =	vmul.f32 v31, v15;
	v32 =	vmul.f32 v32, v13;
	v28 =	vadd.f32 $3.333333130e-01, v28  }
0x5e: {  	v33 =	vmul.f32 v33, v14;
	v29 =	vadd.f32 $3.333333130e-01, v29;
	v30 =	vadd.f32 $3.333333130e-01, v30  }
0x5f: {  	v31 =	vadd.f32 $3.333333130e-01, v31;
	v32 =	vadd.f32 $3.333333130e-01, v32;
	v28 =	vmul.f32 v28, v10  }
0x60: {  	v33 =	vadd.f32 $3.333333130e-01, v33;
	v29 =	vmul.f32 v29, v9;
	v30 =	vmul.f32 v30, v11  }
0x61: {  	s25 =	sadd.s32 $0x0, s4;
	v0 =	vlaneseq.u32;
	v31 =	vmul.f32 v31, v15;
	v38 =	vmul.f32 v32, v13  }
0x62: {  	s28 =	sadd.s32 $0xE5810, s25;
	v1 =	vimm.f32 $-Inf;
	v25 =	vmul.f32 v28, v25;
	v28 =	vmul.f32 v33, v14  }
0x63: {  	v37 =	vor.u32 s28, v0;
	v26 =	vmul.f32 v29, v26;
	v27 =	vmul.f32 v30, v27  }
0x64: {  	v29 =	vmul.f32 v31, v24;
	v16 =	vsub.f32 v25, v16;
	v25 =	vmul.f32 v38, v23  }
0x65: {  	v17 =	vsub.f32 v26, v17;
	v18 =	vsub.f32 v27, v18;
	v26 =	vmul.f32 v28, v22  }
0x66: {  	v24 =	vmul.f32 $5.000000000e-01, v24;
	v19 =	vsub.f32 v29, v19;
	v20 =	vsub.f32 v25, v20  }
0x67: {  	v23 =	vmul.f32 $5.000000000e-01, v23;
	v16 =	vsub.f32 v16, v34;
	v21 =	vsub.f32 v26, v21  }
0x68: {  	s29 =	sadd.s32 $0xE5820, s25;
	s6 =	simm.s32 $0x90;
	v22 =	vmul.f32 $5.000000000e-01, v22;
	v17 =	vsub.f32 v17, v35;
	v18 =	vsub.f32 v18, v36  }
0x69: {  	s30 =	sadd.s32 $0xE5830, s25;
	v55 =	vor.u32 s29, v0;
	v19 =	vsub.f32 v19, v24;
	v25 =	vld [tilespmem:s6+$0x0];
	v20 =	vsub.f32 v20, v23  }
0x6a: {  	v39 =	vor.u32 s30, v0;
	v26 =	vld [tilespmem:s6+$0x10];
	v10 =	vadd.f32 v16, v10;
	v16 =	vsub.f32 v21, v22  }
0x6b: {  	s26 =	sadd.s32 $0xE5800, s25;
	s5 =	simm.s32 $0xF90;
	v4 =	vmul.f32 $6.933593750e-01, v4;
	v24 =	vld [tilespmem:s6+$0xFFFFFFF0];
	v9 =	vadd.f32 v17, v9;
	v11 =	vadd.f32 v18, v11  }
0x6c: {  	v3 =	vor.u32 s26, v0;
	v17 =	vld [tilespmem:s5+$0xFFFFFFD0];
	v15 =	vadd.f32 v19, v15;
	v13 =	vadd.f32 v20, v13  }
0x6d: {  	s31 =	sadd.s32 $0xE5840, s25;
	v2 =	vmul.f32 $6.933593750e-01, v2;
	v21 =	vld [tilespmem:s5+$0x20];
	v7 =	vadd.f32 v10, v7;
	v14 =	vadd.f32 v16, v14  }
0x6e: {  	v38 =	vor.u32 s31, v0;
	v22 =	vld [tilespmem:s6+$0xFFFFFFD0];
	v8 =	vadd.f32 v9, v8;
	v6 =	vadd.f32 v11, v6  }
0x6f: {  	v18 =	vpop (erf);
	v20 =	vld [tilespmem:s5+$0xFFFFFFF0];
	v5 =	vadd.f32 v15, v5;
	v28 =	vadd.s32 $0xC0CAFB0D, v25;
	v29 =	vadd.s32 $0xC0CAFB0D, v26  }
0x70: {  	s3 =	sadd.s32 $0xE5850, s25;
	v15 =	vld [tilespmem:s5+$0x10];
	v10 =	vpop (erf);
	v4 =	vadd.f32 v13, v4;
	v7 =	vmul.f32 v7, v18;
	v2 =	vadd.f32 v14, v2  }
0x71: {  	v13 =	vor.u32 s3, v0;
	v57 =	vshra.s32 v28, $0x17;
	v58 =	vshra.s32 v29, $0x17;
	v9 =	vpop (erf)  }
0x72: {  	v8 =	vmul.f32 v8, v10;
	v21 =	vsub.f32 $0.0e+00, v21;
	v11 =	vpop (erf);
	v6 =	vmul.f32 v6, v9  }
0x73: {  	vm4 =	vgt.f32 v7, v1;
	v5 =	vmul.f32 v5, v11;
	v11 =	vsub.f32 $0.0e+00, v17  }
0x74: {  	vm5 =	vgt.f32 v8, v1;
	v10 =	vsel vm4, v7, v1;
	v20 =	vsub.f32 $0.0e+00, v20  }
0x75: {  	v16 =	vld [tilespmem:s5+$0x0];
	v18 =	vpop (erf);
	v27 =	vsub.f32 $0.0e+00, v15;
	v15 =	vadd.s32 $0xC0CAFB0D, v22;
	v17 =	vadd.s32 $0xC0CAFB0D, v24  }
0x76: {  	v23 =	vld [tilespmem:s6+$0xFFFFFFE0];
	v63 =	vmul.f32 $1.442695020e+00, v21;
	v4 =	vmul.f32 v4, v18;
	vm3 =	vgt.f32 v6, v1  }
0x77: {  	v9 =	vpop (erf);
	v18 =	vshra.s32 v15, $0x17;
	v56 =	vshra.s32 v17, $0x17;
	v59 =	vand.u32 $0xFF800000, v15  }
0x78: {  	v41 =	vand.u32 $0xFF800000, v17;
	v15 =	vcvt.s32.f32 v58;
	v14 =	vmul.f32 v2, v9  }
0x79: {  	v9 =	vsel vm5, v8, v1;
	v8 =	vsel vm3, v6, v1;
	vm2 =	vgt.f32 v5, v1  }
0x7a: {  	v6 =	vsel vm4, v3, v12;
	v3 =	vsub.f32 $0.0e+00, v16;
	v11 =	vmul.f32 $1.442695020e+00, v11  }
0x7b: {  	v16 =	vadd.s32 $0xC0CAFB0D, v23;
	v17 =	vcvt.s32.f32 v56;
	v61 =	vmul.f32 $1.442695020e+00, v20  }
0x7c: {  	v20 =	vand.u32 $0xFF800000, v28;
	v28 =	vand.u32 $0xFF800000, v29;
	v62 =	vmul.f32 $1.442695020e+00, v27  }
0x7d: {  	v19 =	vld [tilespmem:s5+$0xFFFFFFE0];
	v22 =	vsub.s32 v22, v59;
	v21 =	vsub.s32 v24, v41;
	vm1 =	vgt.f32 v4, v1  }
0x7e: {  	v7 =	vsel vm2, v5, v1;
	v30 =	vshra.s32 v16, $0x17;
	v40 =	vand.u32 $0xFF800000, v16  }
0x7f: {  	v16 =	vcvt.s32.f32 v57;
	v24 =	vsub.s32 v25, v20;
	v25 =	vsub.s32 v26, v28  }
0x80: {  	v21 =	vadd.f32 $-1.000000000e+00, v21;
	vm0 =	vgt.f32 v14, v1;
	v2 =	vsel vm1, v4, v1  }
0x81: {  	v4 =	vsel vm5, v37, v12;
	v3 =	vmul.f32 $1.442695020e+00, v3;
	v29 =	vsub.s32 v23, v40  }
0x82: {  	(erf) = vpow2.f32 v11;
	v1 =	vsel vm0, v14, v1;
	v14 =	vsub.f32 $0.0e+00, v19  }
0x83: {  	v5 =	vld [tilespmem:s6+$0x20];
	v23 =	vadd.f32 $-1.000000000e+00, v22;
	v28 =	vmul.f32 $2.121944420e-04, v17;
	v19 =	vcvt.s32.f32 v18  }
0x84: {  	v22 =	vadd.f32 $-1.000000000e+00, v24;
	v18 =	vcvt.s32.f32 v30;
	v30 =	vmul.f32 $1.442695020e+00, v14  }
0x85: {  	v20 =	vadd.f32 $-1.000000000e+00, v29;
	v29 =	vmul.f32 $2.121944420e-04, v16;
	v36 =	vmul.f32 v21, v21  }
0x86: {  	v24 =	vadd.f32 $-1.000000000e+00, v25;
	v37 =	vmul.f32 v23, v23;
	(erf) = vpow2.f32 v30  }
0x87: {  	v11 =	vsel vm3, v55, v12;
	v34 =	vmul.f32 v22, v22;
	(erf) = vpow2.f32 v61  }
0x88: {  	v33 =	vmul.f32 v24, v24;
	v31 =	vadd.s32 $0xC0CAFB0D, v5;
	(erf) = vpow2.f32 v3  }
0x89: {  	v26 =	vmul.f32 $2.121944420e-04, v19;
	v27 =	vand.u32 $0xFF800000, v31;
	(erf) = vpow2.f32 v62  }
0x8a: {  	v60 =	vshra.s32 v31, $0x17;
	v5 =	vsub.s32 v5, v27;
	(erf) = vpow2.f32 v63  }
0x8b: {  	v35 =	vmul.f32 v20, v20;
	v14 =	vcvt.s32.f32 v60;
	v25 =	vadd.f32 $-1.000000000e+00, v5  }
0x8c: {  	s8 =	simm.s32 $0xC0;
	v31 =	vmul.f32 $2.121944420e-04, v15;
	v27 =	vmul.f32 $2.121944420e-04, v18;
	v5 =	vsel vm2, v39, v12  }
0x8d: {  	s7 =	simm.s32 $0x60;
	s3 =	sadd.s32 $0x1000, s2;
	s2 =	sadd.s32 $0x1200, s2;
	v3 =	vimm.s32 $0x40000000;
	v30 =	vmul.f32 $2.121944420e-04, v14;
	v32 =	vmul.f32 v25, v25  }
.LBB2_1:
0x8e: {  	p0 =	sne.s32 s8, $0xE40;
	v48 =	vmul.f32 $7.037683580e-02, v23;
	s9 =	sadd.s32 s7, s4;
	v43 =	vmul.f32 $7.037683580e-02, v20;
	v40 =	vpop (erf);
	v12 =	vsel vm1, v38, v12;
	s7 =	smov.u32 s8  }
0x8f: {  	v44 =	vmul.f32 $7.037683580e-02, v21;
	v45 =	vmul.f32 $7.037683580e-02, v22;
	v3 =	vsel vm0, v13, v3;
	s10 =	sadd.s32 $0xE5800, s9;
	v41 =	vpop (erf)  }
0x90: {  	v46 =	vmul.f32 $7.037683580e-02, v24;
	v49 =	vmul.f32 $7.037683580e-02, v25;
	v39 =	vor.u32 s10, v0;
	v13 =	vpop (erf)  }
0x91: {  	v47 =	vmul.f32 $5.000000000e-01, v37;
	v38 =	vmul.f32 $5.000000000e-01, v35;
	v50 =	vadd.f32 $-1.151461010e-01, v48;
	v42 =	vpop (erf)  }
0x92: {  	v51 =	vadd.f32 $-1.151461010e-01, v43;
	v52 =	vadd.f32 $-1.151461010e-01, v44;
	v48 =	vmul.f32 $5.000000000e-01, v36;
	v43 =	vpop (erf)  }
0x93: {  	v45 =	vadd.f32 $-1.151461010e-01, v45;
	v46 =	vadd.f32 $-1.151461010e-01, v46;
	v50 =	vmul.f32 v50, v23;
	v44 =	vpop (erf)  }
0x94: {  	v49 =	vadd.f32 $-1.151461010e-01, v49;
	v51 =	vmul.f32 v51, v20;
	v52 =	vmul.f32 v52, v21  }
0x95: {  	v45 =	vmul.f32 v45, v22;
	v46 =	vmul.f32 v46, v24;
	v50 =	vadd.f32 $1.167699840e-01, v50  }
0x96: {  	v49 =	vmul.f32 v49, v25;
	v51 =	vadd.f32 $1.167699840e-01, v51;
	v52 =	vadd.f32 $1.167699840e-01, v52  }
0x97: {  	v45 =	vadd.f32 $1.167699840e-01, v45;
	v46 =	vadd.f32 $1.167699840e-01, v46;
	v50 =	vmul.f32 v50, v23  }
0x98: {  	v49 =	vadd.f32 $1.167699840e-01, v49;
	v51 =	vmul.f32 v51, v20;
	v52 =	vmul.f32 v52, v21  }
0x99: {  	v45 =	vmul.f32 v45, v22;
	v46 =	vmul.f32 v46, v24;
	v50 =	vadd.f32 $-1.242014100e-01, v50  }
0x9a: {  	v49 =	vmul.f32 v49, v25;
	v51 =	vadd.f32 $-1.242014100e-01, v51;
	v52 =	vadd.f32 $-1.242014100e-01, v52  }
0x9b: {  	v45 =	vadd.f32 $-1.242014100e-01, v45;
	v46 =	vadd.f32 $-1.242014100e-01, v46;
	v50 =	vmul.f32 v50, v23  }
0x9c: {  	v49 =	vadd.f32 $-1.242014100e-01, v49;
	v51 =	vmul.f32 v51, v20;
	v52 =	vmul.f32 v52, v21  }
0x9d: {  	v45 =	vmul.f32 v45, v22;
	v46 =	vmul.f32 v46, v24;
	v50 =	vadd.f32 $1.424932330e-01, v50  }
0x9e: {  	v49 =	vmul.f32 v49, v25;
	v51 =	vadd.f32 $1.424932330e-01, v51;
	v52 =	vadd.f32 $1.424932330e-01, v52  }
0x9f: {  	v45 =	vadd.f32 $1.424932330e-01, v45;
	v46 =	vadd.f32 $1.424932330e-01, v46;
	v50 =	vmul.f32 v50, v23  }
0xa0: {  	v49 =	vadd.f32 $1.424932330e-01, v49;
	v51 =	vmul.f32 v51, v20;
	v52 =	vmul.f32 v52, v21  }
0xa1: {  	v45 =	vmul.f32 v45, v22;
	v46 =	vmul.f32 v46, v24;
	v50 =	vadd.f32 $-1.666805740e-01, v50  }
0xa2: {  	v49 =	vmul.f32 v49, v25;
	v51 =	vadd.f32 $-1.666805740e-01, v51;
	v52 =	vadd.f32 $-1.666805740e-01, v52  }
0xa3: {  	v45 =	vadd.f32 $-1.666805740e-01, v45;
	v46 =	vadd.f32 $-1.666805740e-01, v46;
	v50 =	vmul.f32 v50, v23  }
0xa4: {  	v49 =	vadd.f32 $-1.666805740e-01, v49;
	v51 =	vmul.f32 v51, v20;
	v52 =	vmul.f32 v52, v21  }
0xa5: {  	v45 =	vmul.f32 v45, v22;
	v46 =	vmul.f32 v46, v24;
	v50 =	vadd.f32 $2.000071410e-01, v50  }
0xa6: {  	v49 =	vmul.f32 v49, v25;
	v51 =	vadd.f32 $2.000071410e-01, v51;
	v52 =	vadd.f32 $2.000071410e-01, v52  }
0xa7: {  	v45 =	vadd.f32 $2.000071410e-01, v45;
	v46 =	vadd.f32 $2.000071410e-01, v46;
	v50 =	vmul.f32 v50, v23  }
0xa8: {  	v49 =	vadd.f32 $2.000071410e-01, v49;
	v51 =	vmul.f32 v51, v20;
	v52 =	vmul.f32 v52, v21  }
0xa9: {  	v45 =	vmul.f32 v45, v22;
	v46 =	vmul.f32 v46, v24;
	v50 =	vadd.f32 $-2.499999400e-01, v50  }
0xaa: {  	v49 =	vmul.f32 v49, v25;
	v51 =	vadd.f32 $-2.499999400e-01, v51;
	v52 =	vadd.f32 $-2.499999400e-01, v52  }
0xab: {  	v45 =	vadd.f32 $-2.499999400e-01, v45;
	v46 =	vadd.f32 $-2.499999400e-01, v46;
	v50 =	vmul.f32 v50, v23  }
0xac: {  	v49 =	vadd.f32 $-2.499999400e-01, v49;
	v51 =	vmul.f32 v51, v20;
	v52 =	vmul.f32 v52, v21  }
0xad: {  	v45 =	vmul.f32 v45, v22;
	v46 =	vmul.f32 v46, v24;
	v50 =	vadd.f32 $3.333333130e-01, v50  }
0xae: {  	v49 =	vmul.f32 v49, v25;
	v51 =	vadd.f32 $3.333333130e-01, v51;
	v52 =	vadd.f32 $3.333333130e-01, v52  }
0xaf: {  	v45 =	vadd.f32 $3.333333130e-01, v45;
	v46 =	vadd.f32 $3.333333130e-01, v46;
	v50 =	vmul.f32 v50, v23  }
0xb0: {  	s10 =	sadd.s32 $0xE5810, s9;
	v49 =	vadd.f32 $3.333333130e-01, v49;
	v51 =	vmul.f32 v51, v20;
	v52 =	vmul.f32 v52, v21  }
0xb1: {  	v53 =	vor.u32 s10, v0;
	s10 =	sadd.s32 $0xE5820, s9;
	v54 =	vmul.f32 v45, v22;
	v55 =	vmul.f32 v46, v24  }
0xb2: {  	v45 =	vor.u32 s10, v0;
	s10 =	sadd.s32 $0xE5830, s9;
	v49 =	vmul.f32 v49, v25;
	v37 =	vmul.f32 v50, v37  }
0xb3: {  	v46 =	vor.u32 s10, v0;
	v35 =	vmul.f32 v51, v35;
	v36 =	vmul.f32 v52, v36  }
0xb4: {  	v50 =	vmul.f32 v55, v33;
	v26 =	vsub.f32 v37, v26;
	v37 =	vmul.f32 v54, v34  }
0xb5: {  	v27 =	vsub.f32 v35, v27;
	v28 =	vsub.f32 v36, v28;
	v35 =	vmul.f32 v49, v32  }
0xb6: {  	v34 =	vmul.f32 $5.000000000e-01, v34;
	v31 =	vsub.f32 v50, v31;
	v29 =	vsub.f32 v37, v29  }
0xb7: {  	v33 =	vmul.f32 $5.000000000e-01, v33;
	v26 =	vsub.f32 v26, v47;
	v30 =	vsub.f32 v35, v30  }
0xb8: {  	v32 =	vmul.f32 $5.000000000e-01, v32;
	v27 =	vsub.f32 v27, v38;
	v28 =	vsub.f32 v28, v48  }
0xb9: {  	v19 =	vmul.f32 $6.933593750e-01, v19;
	v31 =	vsub.f32 v31, v33;
	v29 =	vsub.f32 v29, v34  }
0xba: {  	v18 =	vmul.f32 $6.933593750e-01, v18;
	s5 =	sadd.s32 $0x60, s5;
	v23 =	vadd.f32 v26, v23;
	v26 =	vsub.f32 v30, v32  }
0xbb: {  	v17 =	vmul.f32 $6.933593750e-01, v17;
	v20 =	vadd.f32 v27, v20;
	v21 =	vadd.f32 v28, v21;
	v30 =	vld [tilespmem:s5+$0xFFFFFFD0]  }
0xbc: {  	v16 =	vmul.f32 $6.933593750e-01, v16;
	v24 =	vadd.f32 v31, v24;
	v22 =	vadd.f32 v29, v22;
	v27 =	vld [tilespmem:s5+$0xFFFFFFE0]  }
0xbd: {  	v15 =	vmul.f32 $6.933593750e-01, v15;
	v19 =	vadd.f32 v23, v19;
	v23 =	vadd.f32 v26, v25;
	v28 =	vld [tilespmem:s5+$0xFFFFFFF0]  }
0xbe: {  	v14 =	vmul.f32 $6.933593750e-01, v14;
	s10 =	sadd.s32 $0xE5840, s9;
	v18 =	vadd.f32 v20, v18;
	v17 =	vadd.f32 v21, v17;
	v25 =	vld [tilespmem:s5+$0x0]  }
0xbf: {  	v38 =	vor.u32 s10, v0;
	v15 =	vadd.f32 v24, v15;
	v16 =	vadd.f32 v22, v16;
	v20 =	vld [tilespmem:s5+$0x10]  }
0xc0: {  	s6 =	sadd.s32 $0x60, s6;
	s9 =	sadd.s32 $0xE5850, s9;
	v19 =	vmul.f32 v19, v40;
	v18 =	vmul.f32 v18, v41;
	v14 =	vadd.f32 v23, v14;
	v21 =	vld [tilespmem:s5+$0x20]  }
0xc1: {  	v17 =	vmul.f32 v17, v13;
	v13 =	vor.u32 s9, v0;
	v16 =	vmul.f32 v16, v42;
	v22 =	vld [tilespmem:s6+$0xFFFFFFD0]  }
0xc2: {  	v15 =	vmul.f32 v15, v43;
	v14 =	vmul.f32 v14, v44;
	v23 =	vsub.f32 $0.0e+00, v30;
	v24 =	vld [tilespmem:s6+$0xFFFFFFE0]  }
0xc3: {  	vm4 =	vgt.f32 v19, v10;
	vm5 =	vgt.f32 v18, v9;
	vm2 =	vgt.f32 v17, v8;
	v26 =	vld [tilespmem:s6+$0xFFFFFFF0]  }
0xc4: {  	v10 =	vsel vm4, v19, v10;
	v9 =	vsel vm5, v18, v9;
	v8 =	vsel vm2, v17, v8;
	v29 =	vld [tilespmem:s6+$0x0]  }
0xc5: {  	vm1 =	vgt.f32 v15, v2;
	vm3 =	vgt.f32 v16, v7;
	vm0 =	vgt.f32 v14, v1;
	v30 =	vld [tilespmem:s6+$0x10]  }
0xc6: {  	v2 =	vsel vm1, v15, v2;
	v7 =	vsel vm3, v16, v7;
	v1 =	vsel vm0, v14, v1;
	v31 =	vld [tilespmem:s6+$0x20]  }
0xc7: {  	v6 =	vsel vm4, v39, v6;
	v14 =	vsub.f32 $0.0e+00, v27;
	v15 =	vsub.f32 $0.0e+00, v28  }
0xc8: {  	v4 =	vsel vm5, v53, v4;
	v25 =	vsub.f32 $0.0e+00, v25;
	v20 =	vsub.f32 $0.0e+00, v20  }
0xc9: {  	v21 =	vsub.f32 $0.0e+00, v21;
	v16 =	vadd.s32 $0xC0CAFB0D, v22;
	v17 =	vadd.s32 $0xC0CAFB0D, v24  }
0xca: {  	v27 =	vadd.s32 $0xC0CAFB0D, v26;
	v28 =	vadd.s32 $0xC0CAFB0D, v29;
	v32 =	vadd.s32 $0xC0CAFB0D, v30  }
0xcb: {  	v18 =	vshra.s32 v16, $0x17;
	v33 =	vshra.s32 v17, $0x17;
	v34 =	vadd.s32 $0xC0CAFB0D, v31  }
0xcc: {  	v35 =	vshra.s32 v27, $0x17;
	v36 =	vshra.s32 v28, $0x17;
	v37 =	vshra.s32 v32, $0x17  }
0xcd: {  	v39 =	vand.u32 $0xFF800000, v16;
	v19 =	vcvt.s32.f32 v18;
	v40 =	vshra.s32 v34, $0x17  }
0xce: {  	v23 =	vmul.f32 $1.442695020e+00, v23;
	v41 =	vand.u32 $0xFF800000, v17;
	v18 =	vcvt.s32.f32 v33  }
0xcf: {  	v33 =	vmul.f32 $1.442695020e+00, v14;
	v27 =	vand.u32 $0xFF800000, v27;
	v17 =	vcvt.s32.f32 v35  }
0xd0: {  	v35 =	vmul.f32 $1.442695020e+00, v15;
	v28 =	vand.u32 $0xFF800000, v28;
	v16 =	vcvt.s32.f32 v36  }
0xd1: {  	v25 =	vmul.f32 $1.442695020e+00, v25;
	v32 =	vand.u32 $0xFF800000, v32;
	v15 =	vcvt.s32.f32 v37  }
0xd2: {  	v36 =	vmul.f32 $1.442695020e+00, v20;
	v20 =	vand.u32 $0xFF800000, v34;
	v14 =	vcvt.s32.f32 v40  }
0xd3: {  	v22 =	vsub.s32 v22, v39;
	v24 =	vsub.s32 v24, v41;
	v34 =	vmul.f32 $1.442695020e+00, v21  }
0xd4: {  	v21 =	vsub.s32 v26, v27;
	v37 =	vsub.s32 v29, v28;
	v30 =	vsub.s32 v30, v32  }
0xd5: {  	v26 =	vmul.f32 $2.121944420e-04, v19;
	v32 =	vsub.s32 v31, v20;
	(erf) = vpow2.f32 v23  }
0xd6: {  	v27 =	vmul.f32 $2.121944420e-04, v18;
	v23 =	vadd.f32 $-1.000000000e+00, v22;
	(erf) = vpow2.f32 v33  }
0xd7: {  	v28 =	vmul.f32 $2.121944420e-04, v17;
	v20 =	vadd.f32 $-1.000000000e+00, v24;
	(erf) = vpow2.f32 v35  }
0xd8: {  	v21 =	vadd.f32 $-1.000000000e+00, v21;
	v29 =	vmul.f32 $2.121944420e-04, v16;
	(erf) = vpow2.f32 v25  }
.Ltmp0:
0xd9: {  	v31 =	vmul.f32 $2.121944420e-04, v15;
	v22 =	vadd.f32 $-1.000000000e+00, v37;
	(erf) = vpow2.f32 v36;
	(pc) =	sbr.rel @p0 .LBB2_1-.Ltmp0, $4  }
0xda: {  	v24 =	vadd.f32 $-1.000000000e+00, v30;
	v30 =	vmul.f32 $2.121944420e-04, v14;
	(erf) = vpow2.f32 v34  }
0xdb: {  	v37 =	vmul.f32 v23, v23;
	v35 =	vmul.f32 v20, v20;
	v25 =	vadd.f32 $-1.000000000e+00, v32  }
0xdc: {  	v11 =	vsel vm2, v45, v11;
	v36 =	vmul.f32 v21, v21;
	v34 =	vmul.f32 v22, v22  }
0xdd: {  	s8 =	sadd.s32 $0x60, s8;
	v5 =	vsel vm3, v46, v5;
	v33 =	vmul.f32 v24, v24;
	v32 =	vmul.f32 v25, v25  }
0xde: {  	v39 =	vmul.f32 $7.037683580e-02, v23  }
0xdf: {  	v40 =	vmul.f32 $7.037683580e-02, v20;
	v41 =	vmul.f32 $7.037683580e-02, v21  }
0xe0: {  	v42 =	vmul.f32 $7.037683580e-02, v22;
	v43 =	vmul.f32 $7.037683580e-02, v24  }
0xe1: {  	v44 =	vmul.f32 $7.037683580e-02, v25;
	v45 =	vmul.f32 $5.000000000e-01, v37  }
0xe2: {  	v46 =	vmul.f32 $5.000000000e-01, v35;
	v47 =	vmul.f32 $5.000000000e-01, v36  }
0xe3: {  	v53 =	vmul.f32 $5.000000000e-01, v34;
	v19 =	vmul.f32 $6.933593750e-01, v19  }
0xe4: {  	v17 =	vmul.f32 $6.933593750e-01, v17;
	v15 =	vmul.f32 $6.933593750e-01, v15  }
0xe5: {  	v14 =	vmul.f32 $6.933593750e-01, v14;
	v54 =	vmul.f32 $5.000000000e-01, v33;
	v39 =	vadd.f32 $-1.151461010e-01, v39  }
0xe6: {  	v56 =	vmul.f32 $5.000000000e-01, v32;
	v40 =	vadd.f32 $-1.151461010e-01, v40;
	v41 =	vadd.f32 $-1.151461010e-01, v41  }
0xe7: {  	v42 =	vadd.f32 $-1.151461010e-01, v42;
	v43 =	vadd.f32 $-1.151461010e-01, v43;
	v39 =	vmul.f32 v39, v23  }
0xe8: {  	v44 =	vadd.f32 $-1.151461010e-01, v44;
	v40 =	vmul.f32 v40, v20;
	v41 =	vmul.f32 v41, v21  }
0xe9: {  	v42 =	vmul.f32 v42, v22;
	v43 =	vmul.f32 v43, v24;
	v39 =	vadd.f32 $1.167699840e-01, v39  }
0xea: {  	v44 =	vmul.f32 v44, v25;
	v40 =	vadd.f32 $1.167699840e-01, v40;
	v41 =	vadd.f32 $1.167699840e-01, v41  }
0xeb: {  	v42 =	vadd.f32 $1.167699840e-01, v42;
	v43 =	vadd.f32 $1.167699840e-01, v43;
	v39 =	vmul.f32 v39, v23  }
0xec: {  	v44 =	vadd.f32 $1.167699840e-01, v44;
	v40 =	vmul.f32 v40, v20;
	v41 =	vmul.f32 v41, v21  }
0xed: {  	v42 =	vmul.f32 v42, v22;
	v43 =	vmul.f32 v43, v24;
	v39 =	vadd.f32 $-1.242014100e-01, v39  }
0xee: {  	v44 =	vmul.f32 v44, v25;
	v40 =	vadd.f32 $-1.242014100e-01, v40;
	v41 =	vadd.f32 $-1.242014100e-01, v41  }
0xef: {  	v42 =	vadd.f32 $-1.242014100e-01, v42;
	v43 =	vadd.f32 $-1.242014100e-01, v43;
	v39 =	vmul.f32 v39, v23  }
0xf0: {  	v44 =	vadd.f32 $-1.242014100e-01, v44;
	v40 =	vmul.f32 v40, v20;
	v41 =	vmul.f32 v41, v21  }
0xf1: {  	v42 =	vmul.f32 v42, v22;
	v43 =	vmul.f32 v43, v24;
	v39 =	vadd.f32 $1.424932330e-01, v39  }
0xf2: {  	v44 =	vmul.f32 v44, v25;
	v40 =	vadd.f32 $1.424932330e-01, v40;
	v41 =	vadd.f32 $1.424932330e-01, v41  }
0xf3: {  	v42 =	vadd.f32 $1.424932330e-01, v42;
	v43 =	vadd.f32 $1.424932330e-01, v43;
	v39 =	vmul.f32 v39, v23  }
0xf4: {  	v44 =	vadd.f32 $1.424932330e-01, v44;
	v40 =	vmul.f32 v40, v20;
	v41 =	vmul.f32 v41, v21  }
0xf5: {  	v42 =	vmul.f32 v42, v22;
	v43 =	vmul.f32 v43, v24;
	v39 =	vadd.f32 $-1.666805740e-01, v39  }
0xf6: {  	v44 =	vmul.f32 v44, v25;
	v40 =	vadd.f32 $-1.666805740e-01, v40;
	v41 =	vadd.f32 $-1.666805740e-01, v41  }
0xf7: {  	v42 =	vadd.f32 $-1.666805740e-01, v42;
	v43 =	vadd.f32 $-1.666805740e-01, v43;
	v39 =	vmul.f32 v39, v23  }
0xf8: {  	v44 =	vadd.f32 $-1.666805740e-01, v44;
	v40 =	vmul.f32 v40, v20;
	v41 =	vmul.f32 v41, v21  }
0xf9: {  	v42 =	vmul.f32 v42, v22;
	v43 =	vmul.f32 v43, v24;
	v39 =	vadd.f32 $2.000071410e-01, v39  }
0xfa: {  	v44 =	vmul.f32 v44, v25;
	v40 =	vadd.f32 $2.000071410e-01, v40;
	v41 =	vadd.f32 $2.000071410e-01, v41  }
0xfb: {  	v42 =	vadd.f32 $2.000071410e-01, v42;
	v43 =	vadd.f32 $2.000071410e-01, v43;
	v39 =	vmul.f32 v39, v23  }
0xfc: {  	v44 =	vadd.f32 $2.000071410e-01, v44;
	v40 =	vmul.f32 v40, v20;
	v41 =	vmul.f32 v41, v21  }
0xfd: {  	v42 =	vmul.f32 v42, v22;
	v43 =	vmul.f32 v43, v24;
	v39 =	vadd.f32 $-2.499999400e-01, v39  }
0xfe: {  	v48 =	vld [tilespmem:$0xEA0];
	v44 =	vmul.f32 v44, v25;
	v40 =	vadd.f32 $-2.499999400e-01, v40;
	v41 =	vadd.f32 $-2.499999400e-01, v41  }
0xff: {  	v42 =	vadd.f32 $-2.499999400e-01, v42;
	v43 =	vadd.f32 $-2.499999400e-01, v43;
	v39 =	vmul.f32 v39, v23  }
0x100: {  	v44 =	vadd.f32 $-2.499999400e-01, v44;
	v40 =	vmul.f32 v40, v20;
	v41 =	vmul.f32 v41, v21  }
0x101: {  	v42 =	vmul.f32 v42, v22;
	v43 =	vmul.f32 v43, v24  }
0x102: {  	v44 =	vmul.f32 v44, v25;
	v39 =	vadd.f32 $3.333333130e-01, v39;
	v40 =	vadd.f32 $3.333333130e-01, v40  }
0x103: {  	v41 =	vadd.f32 $3.333333130e-01, v41;
	v58 =	vadd.f32 $3.333333130e-01, v42;
	v42 =	vadd.s32 $0xC0CAFB0D, v48  }
0x104: {  	v43 =	vadd.f32 $3.333333130e-01, v43;
	v44 =	vadd.f32 $3.333333130e-01, v44;
	v49 =	vmul.f32 v39, v23  }
0x105: {  	v59 =	vand.u32 $0xFF800000, v42;
	v50 =	vmul.f32 v40, v20;
	v41 =	vmul.f32 v41, v21  }
0x106: {  	v40 =	vsub.s32 v48, v59;
	v60 =	vmul.f32 v58, v22;
	v43 =	vmul.f32 v43, v24  }
0x107: {  	v44 =	vmul.f32 v44, v25;
	v40 =	vadd.f32 $-1.000000000e+00, v40;
	v49 =	vmul.f32 v49, v37  }
0x108: {  	v50 =	vmul.f32 v50, v35;
	v61 =	vmul.f32 v41, v36  }
0x109: {  	v12 =	vsel vm1, v38, v12;
	v62 =	vmul.f32 v60, v34;
	v51 =	vmul.f32 $7.037683580e-02, v40  }
0x10a: {  	s4 =	sadd.s32 s7, s4;
	v43 =	vmul.f32 v43, v33;
	v26 =	vsub.f32 v49, v26;
	v27 =	vsub.f32 v50, v27  }
0x10b: {  	s5 =	sadd.s32 $0xE5800, s4;
	v28 =	vsub.f32 v61, v28;
	v50 =	vmul.f32 v44, v32;
	v63 =	vadd.f32 $-1.151461010e-01, v51  }
0x10c: {  	v38 =	vor.u32 s5, v0;
	v29 =	vsub.f32 v62, v29;
	v31 =	vsub.f32 v43, v31  }
0x10d: {  	s23 =	sadd.s32 $0xE5810, s4;
	v26 =	vsub.f32 v26, v45;
	v30 =	vsub.f32 v50, v30;
	v52 =	vmul.f32 v63, v40  }
0x10e: {  	s24 =	sadd.s32 $0xE5820, s4;
	v39 =	vor.u32 s23, v0;
	v27 =	vsub.f32 v27, v46;
	v28 =	vsub.f32 v28, v47  }
0x10f: {  	s25 =	sadd.s32 $0xE5830, s4;
	v37 =	vor.u32 s24, v0;
	v51 =	vld [tilespmem:$0xEB0];
	v29 =	vsub.f32 v29, v53;
	v55 =	vadd.f32 $1.167699840e-01, v52  }
0x110: {  	v35 =	vor.u32 s25, v0;
	v31 =	vsub.f32 v31, v54;
	v58 =	vadd.f32 v26, v23  }
0x111: {  	v30 =	vsub.f32 v30, v56;
	v63 =	vadd.f32 v27, v20;
	v57 =	vmul.f32 v55, v40  }
0x112: {  	v62 =	vmul.f32 $6.933593750e-01, v18;
	v41 =	vadd.f32 v28, v21;
	v44 =	vadd.f32 v29, v22  }
0x113: {  	v61 =	vld [tilespmem:$0xEC0];
	v47 =	vmul.f32 $6.933593750e-01, v16;
	v45 =	vadd.f32 v31, v24;
	v60 =	vadd.f32 $-1.242014100e-01, v57  }
0x114: {  	v36 =	vadd.s32 $0xC0CAFB0D, v51;
	v23 =	vadd.f32 v58, v19;
	v16 =	vadd.f32 v30, v25  }
0x115: {  	v20 =	vadd.f32 v63, v62;
	v59 =	vand.u32 $0xFF800000, v36;
	v43 =	vmul.f32 v60, v40  }
0x116: {  	v17 =	vadd.f32 v41, v17;
	v22 =	vadd.f32 v44, v47;
	v26 =	vsub.s32 v51, v59  }
0x117: {  	v47 =	vshra.s32 v42, $0x17;
	v18 =	vadd.f32 $-1.000000000e+00, v26;
	v48 =	vadd.f32 $1.424932330e-01, v43  }
0x118: {  	v24 =	vadd.f32 v45, v15;
	v32 =	vcvt.s32.f32 v47;
	v51 =	vld [tilespmem:$0xED0];
	v26 =	vadd.s32 $0xC0CAFB0D, v61  }
0x119: {  	v55 =	vpop (erf);
	v50 =	vand.u32 $0xFF800000, v26;
	v46 =	vmul.f32 $7.037683580e-02, v18;
	v19 =	vmul.f32 v48, v40  }
0x11a: {  	v23 =	vmul.f32 v23, v55;
	v55 =	vmul.f32 $6.933593750e-01, v32;
	v26 =	vshra.s32 v26, $0x17  }
0x11b: {  	v58 =	vpop (erf);
	v53 =	vsub.s32 v61, v50;
	v49 =	vadd.f32 $-1.151461010e-01, v46;
	v54 =	vadd.f32 $-1.666805740e-01, v19  }
0x11c: {  	v28 =	vmul.f32 v20, v58;
	v26 =	vcvt.s32.f32 v26;
	v19 =	vadd.f32 $-1.000000000e+00, v53  }
0x11d: {  	v61 =	vpop (erf);
	v25 =	vadd.s32 $0xC0CAFB0D, v51;
	v52 =	vmul.f32 v49, v18;
	v56 =	vmul.f32 v54, v40  }
0x11e: {  	v29 =	vmul.f32 v17, v61;
	v59 =	vand.u32 $0xFF800000, v25;
	v57 =	vmul.f32 $7.037683580e-02, v19  }
0x11f: {  	v63 =	vpop (erf);
	v60 =	vsub.s32 v51, v59;
	v21 =	vadd.f32 $1.167699840e-01, v52;
	v15 =	vadd.f32 $2.000071410e-01, v56  }
0x120: {  	v22 =	vmul.f32 v22, v63;
	v20 =	vadd.f32 $-1.000000000e+00, v60;
	v27 =	vadd.f32 $-1.151461010e-01, v57  }
0x121: {  	v47 =	vlaneseq.u32;
	v21 =	vmul.f32 v21, v18;
	v62 =	vmul.f32 v15, v40  }
0x122: {  	vm4 =	vgt.f32 v23, v10;
	v43 =	vmul.f32 $7.037683580e-02, v20;
	v27 =	vmul.f32 v27, v19  }
0x123: {  	v6 =	vsel vm4, v38, v6;
	v21 =	vadd.f32 $-1.242014100e-01, v21;
	v30 =	vadd.f32 $-2.499999400e-01, v62  }
0x124: {  	v38 =	vmul.f32 $2.121944420e-04, v26;
	v45 =	vadd.f32 $-1.151461010e-01, v43;
	v27 =	vadd.f32 $1.167699840e-01, v27  }
0x125: {  	vm2 =	vgt.f32 v28, v9;
	v21 =	vmul.f32 v21, v18;
	v44 =	vmul.f32 v30, v40  }
0x126: {  	v41 =	vpop (erf);
	v10 =	vsel vm4, v23, v10;
	v27 =	vmul.f32 v27, v19;
	v30 =	vmul.f32 v45, v20  }
0x127: {  	v17 =	vmul.f32 v24, v41;
	vm3 =	vgt.f32 v29, v8;
	v21 =	vadd.f32 $1.424932330e-01, v21  }
0x128: {  	v9 =	vsel vm2, v28, v9;
	v27 =	vadd.f32 $-1.242014100e-01, v27;
	v30 =	vadd.f32 $1.167699840e-01, v30  }
0x129: {  	v4 =	vsel vm2, v39, v4;
	v48 =	vmul.f32 v40, v40;
	v21 =	vmul.f32 v21, v18  }
0x12a: {  	v46 =	vld [tilespmem:$0x1DA0];
	v25 =	vshra.s32 v25, $0x17;
	v27 =	vmul.f32 v27, v19;
	v30 =	vmul.f32 v30, v20  }
0x12b: {  	v49 =	vmul.f32 $2.121944420e-04, v32;
	v8 =	vsel vm3, v29, v8;
	v21 =	vadd.f32 $-1.666805740e-01, v21  }
0x12c: {  	v25 =	vcvt.s32.f32 v25;
	v27 =	vadd.f32 $1.424932330e-01, v27;
	v51 =	vadd.f32 $-1.242014100e-01, v30  }
0x12d: {  	vm12 =	vgt.f32 v22, v7;
	v53 =	vmul.f32 $5.000000000e-01, v48;
	v54 =	vld [tilespmem:$0x1DB0];
	v21 =	vmul.f32 v21, v18  }
0x12e: {  	v11 =	vsel vm3, v37, v11;
	v50 =	vmul.f32 v27, v19;
	v27 =	vmul.f32 v51, v20  }
0x12f: {  	v58 =	vld [tilespmem:$0x1DC0];
	v31 =	vsub.f32 $0.0e+00, v46;
	v42 =	vmul.f32 v20, v20;
	v21 =	vadd.f32 $2.000071410e-01, v21  }
0x130: {  	v46 =	vmul.f32 $2.121944420e-04, v25;
	v23 =	vadd.f32 $-1.666805740e-01, v50;
	v27 =	vadd.f32 $1.424932330e-01, v27  }
0x131: {  	v7 =	vsel vm12, v22, v7;
	v52 =	vmul.f32 $1.442695020e+00, v31;
	v21 =	vmul.f32 v21, v18  }
0x132: {  	v28 =	vsub.f32 $0.0e+00, v54;
	v23 =	vmul.f32 v23, v19;
	v27 =	vmul.f32 v27, v20  }
0x133: {  	v63 =	vld [tilespmem:$0x1DD0];
	(erf) = vpow2.f32 v52;
	v24 =	vadd.f32 $3.333333130e-01, v44;
	v21 =	vadd.f32 $-2.499999400e-01, v21  }
0x134: {  	v28 =	vmul.f32 $1.442695020e+00, v28;
	v23 =	vadd.f32 $2.000071410e-01, v23;
	v27 =	vadd.f32 $-1.666805740e-01, v27  }
0x135: {  	v61 =	vsub.f32 $0.0e+00, v58;
	v24 =	vmul.f32 v24, v40;
	v21 =	vmul.f32 v21, v18  }
0x136: {  	v56 =	vshra.s32 v36, $0x17;
	v23 =	vmul.f32 v23, v19;
	v27 =	vmul.f32 v27, v20  }
0x137: {  	v57 =	vmul.f32 v18, v18;
	v31 =	vpop (erf);
	(erf) = vpow2.f32 v28;
	v21 =	vadd.f32 $3.333333130e-01, v21  }
0x138: {  	v24 =	vmul.f32 v24, v48;
	v23 =	vadd.f32 $-2.499999400e-01, v23;
	v27 =	vadd.f32 $2.000071410e-01, v27  }
0x139: {  	v41 =	vsub.f32 $0.0e+00, v63;
	v30 =	vcvt.s32.f32 v56;
	v21 =	vmul.f32 v21, v18  }
0x13a: {  	v5 =	vsel vm12, v35, v5;
	v23 =	vmul.f32 v23, v19;
	v27 =	vmul.f32 v27, v20  }
0x13b: {  	v43 =	vmul.f32 $1.442695020e+00, v41;
	v24 =	vsub.f32 v24, v49;
	v59 =	vmul.f32 $2.121944420e-04, v30  }
0x13c: {  	v21 =	vmul.f32 v21, v57;
	v23 =	vadd.f32 $3.333333130e-01, v23;
	v27 =	vadd.f32 $-2.499999400e-01, v27  }
0x13d: {  	v22 =	vmul.f32 $5.000000000e-01, v57;
	v62 =	vmul.f32 v19, v19;
	v24 =	vsub.f32 v24, v53  }
0x13e: {  	v21 =	vsub.f32 v21, v59;
	v23 =	vmul.f32 v23, v19;
	v36 =	vmul.f32 v27, v20  }
0x13f: {  	v54 =	vmul.f32 $6.933593750e-01, v25;
	v28 =	vmul.f32 $1.442695020e+00, v61;
	v24 =	vadd.f32 v24, v40  }
0x140: {  	v21 =	vsub.f32 v21, v22;
	v34 =	vmul.f32 v23, v62;
	v23 =	vadd.f32 $3.333333130e-01, v36  }
0x141: {  	v52 =	vor.u32 $0xF4210, v47;
	v60 =	vpop (erf);
	(erf) = vpow2.f32 v28;
	v39 =	vmul.f32 $6.933593750e-01, v30  }
0x142: {  	v24 =	vadd.f32 v24, v55;
	v18 =	vadd.f32 v21, v18;
	v23 =	vmul.f32 v23, v20  }
0x143: {  	v45 =	vpop (erf);
	(erf) = vpow2.f32 v43;
	v40 =	vmul.f32 $5.000000000e-01, v62;
	v22 =	vsub.f32 v34, v38  }
0x144: {  	v24 =	vmul.f32 v24, v60;
	v18 =	vadd.f32 v18, v39;
	v23 =	vmul.f32 v23, v42  }
0x145: {  	v44 =	vmul.f32 $6.933593750e-01, v26;
	v49 =	vmul.f32 $5.000000000e-01, v42;
	v22 =	vsub.f32 v22, v40  }
0x146: {  	vm13 =	vgt.f32 v24, v10;
	v18 =	vmul.f32 v18, v45;
	v48 =	vsub.f32 v23, v46  }
0x147: {  	v50 =	vor.u32 $0xF4200, v47;
	v10 =	vsel vm13, v24, v10;
	v19 =	vadd.f32 v22, v19  }
0x148: {  	v6 =	vsel vm13, v50, v6;
	vm14 =	vgt.f32 v18, v9;
	v21 =	vsub.f32 v48, v49  }
0x149: {  	v9 =	vsel vm14, v18, v9;
	v4 =	vsel vm14, v52, v4;
	v19 =	vadd.f32 v19, v44  }
0x14a: {  	v51 =	vpop (erf);
	vm8 =	veq.f32 v9, v10;
	vm9 =	vlt.s32 v4, v6;
	v53 =	vadd.f32 v21, v20  }
0x14b: {  	vm5 =	vgt.f32 v9, v10;
	vm3 =	vmand vm8, vm9;
	v19 =	vmul.f32 v19, v51  }
0x14c: {  	v55 =	vor.u32 $0xF4220, v47;
	vm10 =	vmor vm5, vm3;
	v18 =	vadd.f32 v53, v54  }
0x14d: {  	v56 =	vpop (erf);
	v9 =	vsel vm10, v9, v10;
	v4 =	vsel vm10, v4, v6;
	vm15 =	vgt.f32 v19, v8  }
0x14e: {  	v8 =	vsel vm15, v19, v8;
	v11 =	vsel vm15, v55, v11;
	v18 =	vmul.f32 v18, v56  }
0x14f: {  	v58 =	vor.u32 $0xF4230, v47;
	vm11 =	veq.f32 v8, v9;
	vm2 =	vlt.s32 v11, v4  }
0x150: {  	s26 =	sadd.s32 $0xE5840, s4;
	vm13 =	vgt.f32 v8, v9;
	vm1 =	vmand vm11, vm2;
	vm12 =	vgt.f32 v18, v7  }
0x151: {  	v15 =	vor.u32 s26, v0;
	vm1 =	vmor vm13, vm1;
	v57 =	vsel vm12, v18, v7  }
0x152: {  	v5 =	vsel vm12, v58, v5;
	v59 =	vsel vm1, v8, v9;
	v4 =	vsel vm1, v11, v4  }
0x153: {  	v60 =	vadd.f32 v16, v14;
	vm14 =	veq.f32 v57, v59;
	vm15 =	vlt.s32 v5, v4  }
0x154: {  	vm8 =	vgt.f32 v17, v2;
	vm9 =	vgt.f32 v57, v59;
	vm1 =	vmand vm14, vm15  }
0x155: {  	v2 =	vsel vm8, v17, v2;
	v61 =	vsel vm8, v15, v12;
	vm1 =	vmor vm9, vm1  }
0x156: {  	v8 =	vmul.f32 v60, v31;
	v6 =	vsel vm1, v57, v59;
	v4 =	vsel vm1, v5, v4  }
0x157: {  	v3 =	vsel vm0, v13, v3;
	vm10 =	veq.f32 v2, v6;
	vm1 =	vlt.s32 v61, v4  }
0x158: {  	s4 =	sadd.s32 $0xE5850, s4;
	vm11 =	vgt.f32 v8, v1;
	vm12 =	vgt.f32 v2, v6;
	vm0 =	vmand vm10, vm1  }
0x159: {  	v62 =	vor.u32 s4, v0;
	v1 =	vsel vm11, v8, v1;
	vm0 =	vmor vm12, vm0  }
0x15a: {  	v0 =	vsel vm11, v62, v3;
	v2 =	vsel vm0, v2, v6;
	v63 =	vsel vm0, v61, v4  }
0x15b: {  	vm13 =	veq.f32 v1, v2;
	vm14 =	vlt.s32 v0, v63  }
0x15c: {  	vm15 =	vgt.f32 v1, v2;
	vm0 =	vmand vm13, vm14  }
0x15d: {  	vm0 =	vmor vm15, vm0  }
0x15e: {  	v1 =	vsel vm0, v1, v2  }
0x15f: {  	s28 =	sshll.u32 s0, $0x1;
	v0 =	vsel vm0, v0, v63;
	[tilespmem:$0x1E00] =	vst v1  }
0x160: {  	s29 =	simm.s32 $0x0;
	s6 =	simm.s32 $0x1E00;
	s3 =	sadd.s32 s3, s28;
	[tilespmem:$0x1E80] =	vst v0  }
0x161: {  	[hbm4b:s3+s29] =	stream.linear.scatter [tilespmem:s6], [sflag:$0x1], $0x10, $0x38;
	[tilespmem:$0x1F00] =	vst v63  }
0x162: {  	s30 =	simm.s32 $0x1E80;
	s31 =	simm.s32 $0x1;
	s2 =	sadd.s32 s2, s28  }
0x163: {  	[hbm4b:s2+s29] =	stream.linear.scatter [tilespmem:s30], [sflag:$0x1], $0x10, $0x38;
	[tilespmem:$0x1F00] =	vst v63  }
0x164: {  	_ =	swait.ge [sflag:s31], $0x10  }
0x165: {  	[sflag:s31] =	ssyncset.done $0x0  }
0x166: {  	[sflag:s31] =	ssyncadd.s32 $0xFFFFFFF0  }
0x167: {  	_ =	swait.ge [sflag:s31], $0x10  }
0x168: {  	[sflag:s31] =	ssyncset.done $0x0  }
0x169: {  	[sflag:s31] =	ssyncadd.s32 $0xFFFFFFF0  }
0x16a: {  	_ =	sfence.sel $0x180000  }
0x16b: {  	[bflag:$0x0] =	sbarrier.arrive $0xFFFF  }
0x16c: {  	p0 =	sne.s32 s0, $0x0;
	_ =	strace $0x90000047  }
0x16d: {  	s0 =	sadd.s32 @!p0 $0x100000, s1;
	[bflag:$0x2] =	sbarrier.arrive $0xFFFF  }
0x16e: {  	[sflag:s0] =	ssyncadd.tile.s32 @!p0 $0x1;
	_ =	shalt  }
.Lfunc_end2:
_tile_overlayer_lowered:
.L_overlay_start_2:
0x16f: {  	(tag) =	ssettag $0x2  }
0x170: {  	s0 =	rddreg [dreg:$0x0];
	s2 =	stileid.u32  }
0x171: {  	s1 =	rddreg [dreg:$0x1];
	p0 =	sne.s32 s2, $0x0  }
0x172: {  	s3 =	rddreg [dreg:$0x2];
	[bflag:$0x3] =	sbarrier.arrive $0xFFFF;
	s2 =	simm.s32 @!p0 $0x1C02  }
0x173: {  	[timem:s3], [sflag:s2] =	dma.local @!p0 [hbm:s0], s1  }
0x174: {  	s0 =	simm.s32 @!p0 $0x2  }
0x175: {  	_ =	swait.ge @!p0 [sflag:s0], s1  }
0x176: {  	s1 =	ssub.s32 @!p0 $0x0, s1;
	[sflag:s0] =	ssyncset.done @!p0 $0x0  }
0x177: {  	[sflag:s0] =	ssyncadd.s32 @!p0 s1  }
0x178: {  	[bflag:$0x3] =	sbarrier.arrive $0xFFFF  }
0x179: {  	_ =	shalt  }

</sc_bundles>
